<compile_context>
chip_gen: v7x
topology: tpu7x:2x2x1
jax: 0.10.2.dev20260603
libtpu: 0.0.44.dev20260713+nightly
codegen_flags: <defaults>
</compile_context>

<pallas_src>
import functools

import jax
import jax.numpy as jnp
import numpy as np
from jax import lax
from jax.experimental import pallas as pl
from jax.experimental.pallas import tpu as pltpu
from jax.experimental.pallas import tpu_sc as plsc

B = 4
N = 8192
S = 1024
K = 32
CPAD = 32
C2 = 64
R2 = np.float32(0.04)
EPS = 1e-5
NC, NS = 2, 16
NW = NC * NS
RPW = (B * S) // NW
WPB = NW // B
GC = 16
NCHUNK = N // 16
RTOT = B * S * K
UNROLL = 16
SCANP = 320
RB = 2048
GB = RB // K



def _bf16_round(v):
    u = plsc.bitcast(v, jnp.uint32)
    lsb = lax.shift_right_logical(u, jnp.uint32(16)) & jnp.uint32(1)
    r = (u + jnp.uint32(0x7FFF) + lsb) & jnp.uint32(0xFFFF0000)
    return plsc.bitcast(r, jnp.float32)


def _sc_body(xyz_hbm, feat_hbm, out_hbm, xyz_v, pb_v, b2_v, scan_v, idx_v,
             gbuf_v, sem):
    wid = lax.axis_index("s") * NC + lax.axis_index("c")
    b = wid // WPB
    s_base = (wid % WPB) * RPW
    pltpu.sync_copy(xyz_hbm.at[b], xyz_v)

    lane = jnp.arange(16, dtype=jnp.int32)

    def pre_body(ch, carry):
        n0 = ch * 16
        px = xyz_v[pl.ds(n0, 16)]
        py = xyz_v[pl.ds(N + n0, 16)]
        pz = xyz_v[pl.ds(2 * N + n0, 16)]
        pb_v[pl.ds(n0, 16)] = _bf16_round(px)
        pb_v[pl.ds(N + n0, 16)] = _bf16_round(py)
        pb_v[pl.ds(2 * N + n0, 16)] = _bf16_round(pz)
        b2_v[pl.ds(n0, 16)] = (px * px + py * py) + pz * pz
        return carry

    lax.fori_loop(0, NCHUNK, pre_body, 0)

    def centroid_body(ci, carry):
        s = s_base + ci
        sv = jnp.full((16,), s, jnp.int32)
        cx = plsc.load_gather(xyz_v, [sv])
        cy = plsc.load_gather(xyz_v, [sv + N])
        cz = plsc.load_gather(xyz_v, [sv + 2 * N])
        a2 = (cx * cx + cy * cy) + cz * cz
        cbx = _bf16_round(cx)
        cby = _bf16_round(cy)
        cbz = _bf16_round(cz)
        c2x = -2.0 * cbx
        c2y = -2.0 * cby
        c2z = -2.0 * cbz
        rowbase = ci * K
        crowbase = ci * SCANP

        def cond(c):
            chunk, count = c
            return jnp.logical_and(count < K, chunk < NCHUNK // UNROLL)

        def body(c):
            chunk, count = c
            masks, pcs = [], []
            for u in range(UNROLL):
                n0 = chunk * (16 * UNROLL) + u * 16
                q = (c2x * pb_v[pl.ds(n0, 16)] + c2y * pb_v[pl.ds(N + n0, 16)]
                     ) + c2z * pb_v[pl.ds(2 * N + n0, 16)]
                d2 = (q + a2) + b2_v[pl.ds(n0, 16)]
                m = d2 <= R2
                masks.append(m)
                pcs.append(plsc.all_reduce_population_count(m)[0])
            cnt = count
            for u in range(UNROLL):
                n0 = chunk * (16 * UNROLL) + u * 16
                plsc.store_compressed(scan_v.at[pl.ds(crowbase + cnt, 16)],
                                      b * N + n0 + lane, mask=masks[u])
                cnt = cnt + pcs[u]
            return chunk + 1, cnt

        _, cnt = lax.while_loop(cond, body, (jnp.int32(0), jnp.int32(0)))
        first = plsc.load_gather(scan_v, [jnp.full((16,), crowbase, jnp.int32)])
        for h in range(2):
            lv = lane + (h * 16)
            vals = scan_v[pl.ds(crowbase + h * 16, 16)]
            idx_v[pl.ds(rowbase + h * 16, 16)] = jnp.where(lv < cnt, vals, first)
        return carry

    lax.fori_loop(0, RPW, centroid_body, 0)

    out_base = (b * S + s_base) * K
    nrows = GC * K

    def gather_body(gi, carry):
        idx_sub = idx_v.at[pl.ds(gi * nrows, nrows)]
        pltpu.async_copy(feat_hbm.at[idx_sub], gbuf_v, sem).wait()
        pltpu.sync_copy(gbuf_v, out_hbm.at[pl.ds(out_base + gi * nrows, nrows)])
        return carry

    lax.fori_loop(0, RPW // GC, gather_body, 0)


def _sc_ball_gather(xyz, feat):
    mesh = plsc.VectorSubcoreMesh(
        core_axis_name="c", subcore_axis_name="s", num_cores=NC, num_subcores=NS)
    return pl.kernel(
        _sc_body,
        out_type=jax.ShapeDtypeStruct((RTOT, CPAD), jnp.float32),
        mesh=mesh,
        scratch_types=[
            pltpu.VMEM((3 * N,), jnp.float32),
            pltpu.VMEM((3 * N,), jnp.float32),
            pltpu.VMEM((N,), jnp.float32),
            pltpu.VMEM((RPW * SCANP,), jnp.int32),
            pltpu.VMEM((RPW * K,), jnp.int32),
            pltpu.VMEM((GC * K, CPAD), jnp.float32),
            pltpu.SemaphoreType.DMA,
        ],
        compiler_params=pltpu.CompilerParams(
            needs_layout_passes=False, use_tc_tiling_on_sc=False),
    )(xyz.reshape(B, 3 * N), feat)



def _p1_body(x_ref, cent_ref, w_ref, y_ref, st_ref):
    i = pl.program_id(0)
    x = x_ref[...]
    xc = x.reshape(GB, K, CPAD) - cent_ref[...][:, None, :]
    y = jnp.dot(xc.reshape(RB, CPAD), w_ref[...],
                preferred_element_type=jnp.float32)
    y_ref[...] = y

    @pl.when(i == 0)
    def _():
        st_ref[...] = jnp.zeros_like(st_ref)

    st_ref[0:1, :] += jnp.sum(y, axis=0, keepdims=True)
    st_ref[1:2, :] += jnp.sum(y * y, axis=0, keepdims=True)


def _mid_body(y_ref, a_ref, c_ref, w_ref, o_ref, st_ref):
    i = pl.program_id(0)
    h = jnp.maximum(y_ref[...] * a_ref[...] + c_ref[...], 0.0)
    y = jnp.dot(h, w_ref[...], preferred_element_type=jnp.float32)
    o_ref[...] = y

    @pl.when(i == 0)
    def _():
        st_ref[...] = jnp.zeros_like(st_ref)

    st_ref[0:1, :] += jnp.sum(y, axis=0, keepdims=True)
    st_ref[1:2, :] += jnp.sum(y * y, axis=0, keepdims=True)


def _p4_body(y_ref, a_ref, c_ref, o_ref):
    h = jnp.maximum(y_ref[...] * a_ref[...] + c_ref[...], 0.0)
    o_ref[...] = jnp.max(h.reshape(GB, K, C2), axis=1)


def _run_p1(x, cent, w0t):
    return pl.pallas_call(
        _p1_body,
        grid=(RTOT // RB,),
        in_specs=[
            pl.BlockSpec((RB, CPAD), lambda i: (i, 0)),
            pl.BlockSpec((GB, CPAD), lambda i: (i, 0)),
            pl.BlockSpec((CPAD, CPAD), lambda i: (0, 0)),
        ],
        out_specs=[
            pl.BlockSpec((RB, CPAD), lambda i: (i, 0)),
            pl.BlockSpec((8, CPAD), lambda i: (0, 0)),
        ],
        out_shape=[
            jax.ShapeDtypeStruct((RTOT, CPAD), jnp.float32),
            jax.ShapeDtypeStruct((8, CPAD), jnp.float32),
        ],
    )(x, cent, w0t)


def _run_mid(y, a, c, wt, cout):
    cin = y.shape[1]
    return pl.pallas_call(
        _mid_body,
        grid=(RTOT // RB,),
        in_specs=[
            pl.BlockSpec((RB, cin), lambda i: (i, 0)),
            pl.BlockSpec((1, cin), lambda i: (0, 0)),
            pl.BlockSpec((1, cin), lambda i: (0, 0)),
            pl.BlockSpec((cin, cout), lambda i: (0, 0)),
        ],
        out_specs=[
            pl.BlockSpec((RB, cout), lambda i: (i, 0)),
            pl.BlockSpec((8, cout), lambda i: (0, 0)),
        ],
        out_shape=[
            jax.ShapeDtypeStruct((RTOT, cout), jnp.float32),
            jax.ShapeDtypeStruct((8, cout), jnp.float32),
        ],
    )(y, a, c, wt)


def _run_p4(y, a, c):
    return pl.pallas_call(
        _p4_body,
        grid=(RTOT // RB,),
        in_specs=[
            pl.BlockSpec((RB, C2), lambda i: (i, 0)),
            pl.BlockSpec((1, C2), lambda i: (0, 0)),
            pl.BlockSpec((1, C2), lambda i: (0, 0)),
        ],
        out_specs=pl.BlockSpec((GB, C2), lambda i: (i, 0)),
        out_shape=jax.ShapeDtypeStruct((B * S, C2), jnp.float32),
    )(y, a, c)


def _affine(st, gamma, beta):
    mean = st[0] / RTOT
    var = st[1] / RTOT - mean * mean
    a = gamma / jnp.sqrt(var + EPS)
    return a[None, :], (beta - mean * (gamma / jnp.sqrt(var + EPS)))[None, :]


def kernel(xyz, points, W0, b0, gamma0, beta0, W1, b1, gamma1, beta1,
           W2, b2, gamma2, beta2):
    f32 = jnp.float32
    xyz_t = jnp.transpose(xyz, (0, 2, 1))
    pts_t = jnp.transpose(points, (0, 2, 1))
    feat = jnp.concatenate(
        [xyz_t, pts_t, jnp.zeros((B, N, CPAD - 19), f32)], axis=-1)
    feat = feat.reshape(B * N, CPAD)

    gathered = _sc_ball_gather(xyz, feat)

    new_xyz_t = xyz_t[:, :S, :]
    cent = jnp.concatenate(
        [new_xyz_t, jnp.zeros((B, S, CPAD - 3), f32)], axis=-1)
    cent = cent.reshape(B * S, CPAD)

    w0t = jnp.pad(W0, ((0, 0), (0, CPAD - 19))).T
    y0, st0 = _run_p1(gathered, cent, w0t)
    a0, c0 = _affine(st0[:, :32], gamma0, beta0)
    y1, st1 = _run_mid(y0, a0, c0, W1.T, 32)
    a1, c1 = _affine(st1[:, :32], gamma1, beta1)
    y2, st2 = _run_mid(y1, a1, c1, W2.T, C2)
    a2, c2 = _affine(st2[:, :C2], gamma2, beta2)
    out = _run_p4(y2, a2, c2)

    new_points = jnp.transpose(out.reshape(B, S, C2), (0, 2, 1))
    new_xyz_out = xyz[:, :, :S]
    return (new_xyz_out, new_points)

# --- scband reference (transcript-rebuilt; emitter-appended) ---
"""Pipeline reference for scband-point-net-set-abstraction-72567767433503 (READ-ONLY COPY).

The authoritative reference and input builder live on the scoring server;
editing this copy changes nothing except your own understanding.
"""

import jax, jax.numpy as jnp
import numpy as np

NPOINT = 1024
RADIUS = 0.2
NSAMPLE = 32
MLP = [32, 32, 64]
IN_CH = 19
EPS = 1e-5


def setup_inputs(seed: int = 0) -> dict:
    key = jax.random.key(seed)
    ks = jax.random.split(key, 2 + 3 * len(MLP))
    inp = {}
    inp["xyz"] = jax.random.uniform(ks[0], (4, 3, 8192), dtype=jnp.float32)
    inp["points"] = jax.random.normal(ks[1], (4, 16, 8192), dtype=jnp.float32)
    last = IN_CH
    for i, oc in enumerate(MLP):
        inp[f"W{i}"] = jax.random.normal(ks[2 + 3 * i], (oc, last), dtype=jnp.float32) * (1.0 / np.sqrt(last))
        inp[f"b{i}"] = jnp.zeros((oc,), dtype=jnp.float32)
        inp[f"gamma{i}"] = jnp.ones((oc,), dtype=jnp.float32)
        inp[f"beta{i}"] = jnp.zeros((oc,), dtype=jnp.float32)
        last = oc
    return inp


def square_distance(src, dst):
    dist = -2.0 * jnp.matmul(src, jnp.transpose(dst, (0, 2, 1)))
    dist = dist + jnp.sum(src ** 2, -1)[:, :, None]
    dist = dist + jnp.sum(dst ** 2, -1)[:, None, :]
    return dist


def index_points(points, idx):
    # points: [B, N, C], idx: [B, ...] -> [B, ..., C]
    return jax.vmap(lambda p, i: p[i])(points, idx)


def query_ball_point(radius, nsample, xyz, new_xyz):
    B, N, C = xyz.shape
    S = new_xyz.shape[1]
    sqrdists = square_distance(new_xyz, xyz)  # [B, S, N]
    group_idx = jnp.broadcast_to(jnp.arange(N, dtype=jnp.int32)[None, None, :], (B, S, N))
    group_idx = jnp.where(sqrdists > radius ** 2, jnp.int32(N), group_idx)
    group_idx = jnp.sort(group_idx, axis=-1)[:, :, :nsample]
    group_first = jnp.broadcast_to(group_idx[:, :, :1], group_idx.shape)
    group_idx = jnp.where(group_idx == N, group_first, group_idx)
    return group_idx


def reference(xyz, points, W0, b0, gamma0, beta0, W1, b1, gamma1, beta1, W2, b2, gamma2, beta2):
    # xyz: [B, 3, N], points: [B, D, N]  (channels-first as in torch forward)
    xyz_t = jnp.transpose(xyz, (0, 2, 1))      # [B, N, 3]
    pts_t = jnp.transpose(points, (0, 2, 1))   # [B, N, D]
    B, N, C = xyz_t.shape
    # fps_method='first' (default in this variant): take first npoint indices
    fps_idx = jnp.broadcast_to(jnp.arange(NPOINT)[None, :], (B, NPOINT))
    new_xyz = index_points(xyz_t, fps_idx)     # [B, S, 3]
    idx = query_ball_point(RADIUS, NSAMPLE, xyz_t, new_xyz)  # [B, S, ns]
    grouped_xyz = index_points(xyz_t, idx)     # [B, S, ns, 3]
    grouped_xyz_norm = grouped_xyz - new_xyz[:, :, None, :]
    grouped_points = index_points(pts_t, idx)  # [B, S, ns, D]
    new_points = jnp.concatenate([grouped_xyz_norm, grouped_points], axis=-1)  # [B, S, ns, 3+D]
    x = jnp.transpose(new_points, (0, 3, 2, 1))  # [B, 3+D, ns, S]
    params = [(W0, b0, gamma0, beta0), (W1, b1, gamma1, beta1), (W2, b2, gamma2, beta2)]
    for (W, b, g, be) in params:
        x = jnp.einsum('oc,bcns->bons', W, x) + b[None, :, None, None]
        mean = jnp.mean(x, axis=(0, 2, 3), keepdims=True)
        var = jnp.var(x, axis=(0, 2, 3), keepdims=True)
        x = (x - mean) / jnp.sqrt(var + EPS)
        x = x * g[None, :, None, None] + be[None, :, None, None]
        x = jax.nn.relu(x)
    new_points_out = jnp.max(x, axis=2)               # [B, mlp[-1], S]
    new_xyz_out = jnp.transpose(new_xyz, (0, 2, 1))   # [B, 3, S]
    return (new_xyz_out, new_points_out)

if __name__ == "__main__":
    import jax
    _d = setup_inputs()
    print(jax.jit(kernel)(*tuple(_d.values())))

</pallas_src>

<mosaic_0001>
#map = affine_map<(d0, d1) -> (0, 0)>
module attributes {stable_mosaic.version = 14 : i64} {
  func.func @_sc_body(%arg0: i32, %arg1: i32, %arg2: memref<4x24576xf32, #tpu.memory_space<hbm>>, %arg3: memref<32768x32xf32, #tpu.memory_space<hbm>>, %arg4: memref<131072x32xf32, #tpu.memory_space<hbm>>, %arg5: memref<24576xf32, #tpu.memory_space<vmem>>, %arg6: memref<24576xf32, #tpu.memory_space<vmem>>, %arg7: memref<8192xf32, #tpu.memory_space<vmem>>, %arg8: memref<40960xi32, #tpu.memory_space<vmem>>, %arg9: memref<4096xi32, #tpu.memory_space<vmem>>, %arg10: memref<512x32xf32, #tpu.memory_space<vmem>>, %arg11: memref<!tpu.dma_semaphore, #tpu.memory_space<semaphore_mem>>) attributes {dimension_semantics = [#tpu.dimension_semantics<core_parallel>, #tpu.dimension_semantics<subcore_parallel>], iteration_bounds = array<i64: 2, 16>, scalar_prefetch = 0 : i64, scratch_operands = 7 : i64, tpu.core_type = #tpu.core_type<sc_vector_subcore>, window_params = [{transform_indices = #map}, {transform_indices = #map}, {transform_indices = #map}]} {
    %mul3A = arith.constant 2 : i32
    %mul3A_0 = arith.muli %arg1, %mul3A : i32
    %add3A = arith.addi %mul3A_0, %arg0 : i32
    %jit3A = arith.constant 8 : i32
    %div3A = arith.divsi %add3A, %jit3A : i32
    %sign3A = arith.constant 0 : i32
    %sign3A_1 = arith.cmpi sgt, %add3A, %sign3A : i32
    %sign3A_2 = arith.extui %sign3A_1 : i1 to i32
    %sign3A_3 = arith.constant 0 : i32
    %sign3A_4 = arith.cmpi slt, %add3A, %sign3A_3 : i32
    %sign3A_5 = arith.extui %sign3A_4 : i1 to i32
    %sign3A_6 = arith.subi %sign3A_2, %sign3A_5 : i32
    %sign3A_7 = arith.constant 0 : i32
    %sign3A_8 = arith.cmpi sgt, %jit3A, %sign3A_7 : i32
    %sign3A_9 = arith.extui %sign3A_8 : i1 to i32
    %sign3A_10 = arith.constant 0 : i32
    %sign3A_11 = arith.cmpi slt, %jit3A, %sign3A_10 : i32
    %sign3A_12 = arith.extui %sign3A_11 : i1 to i32
    %sign3A_13 = arith.subi %sign3A_9, %sign3A_12 : i32
    %ne3A = arith.cmpi ne, %sign3A_6, %sign3A_13 : i32
    %rem3A = arith.remsi %add3A, %jit3A : i32
    %ne3A_14 = arith.constant 0 : i32
    %ne3A_15 = arith.cmpi ne, %rem3A, %ne3A_14 : i32
    %and3A = arith.andi %ne3A, %ne3A_15 : i1
    %sub3A = arith.constant 1 : i32
    %sub3A_16 = arith.subi %div3A, %sub3A : i32
    %select_n3A = arith.select %and3A, %sub3A_16, %div3A : i32
    %jit3A_17 = arith.constant 8 : i32
    %eq3A = arith.constant 0 : i32
    %eq3A_18 = arith.cmpi eq, %jit3A_17, %eq3A : i32
    %jit3A_19 = arith.constant 1 : i32
    %select_n3A_20 = arith.select %eq3A_18, %jit3A_19, %jit3A_17 : i32
    %rem3A_21 = arith.remsi %add3A, %select_n3A_20 : i32
    %ne3A_22 = arith.constant 0 : i32
    %ne3A_23 = arith.cmpi ne, %rem3A_21, %ne3A_22 : i32
    %lt3A = arith.constant 0 : i32
    %lt3A_24 = arith.cmpi slt, %rem3A_21, %lt3A : i32
    %lt3A_25 = arith.constant 0 : i32
    %lt3A_26 = arith.cmpi slt, %select_n3A_20, %lt3A_25 : i32
    %ne3A_27 = arith.xori %lt3A_24, %lt3A_26 : i1
    %and3A_28 = arith.andi %ne3A_27, %ne3A_23 : i1
    %add3A_29 = arith.addi %rem3A_21, %select_n3A_20 : i32
    %select_n3A_30 = arith.select %and3A_28, %add3A_29, %rem3A_21 : i32
    %mul3A_31 = arith.constant 128 : i32
    %mul3A_32 = arith.muli %select_n3A_30, %mul3A_31 : i32
    "tpu.region"() ({
      %run_scoped3A = tpu.sem_alloc : memref<!tpu.dma_semaphore, #tpu.memory_space<semaphore_mem>>
      %dma_start3A = arith.constant 0 : i32
      %dma_start3A_55 = tpu.memref_slice %arg2[%select_n3A, %dma_start3A] : memref<4x24576xf32, #tpu.memory_space<hbm>> -> memref<1x24576xf32, #tpu.memory_space<hbm>>
      %dma_start3A_56 = tpu.memref_squeeze %dma_start3A_55 : memref<1x24576xf32, #tpu.memory_space<hbm>> -> memref<24576xf32, #tpu.memory_space<hbm>>
      %dma_start3A_57 = arith.constant 0 : i32
      %dma_start3A_58 = tpu.memref_slice %arg2[%select_n3A, %dma_start3A_57] : memref<4x24576xf32, #tpu.memory_space<hbm>> -> memref<1x24576xf32, #tpu.memory_space<hbm>>
      %dma_start3A_59 = tpu.memref_squeeze %dma_start3A_58 : memref<1x24576xf32, #tpu.memory_space<hbm>> -> memref<24576xf32, #tpu.memory_space<hbm>>
      tpu.enqueue_dma source(%dma_start3A_59 : memref<24576xf32, #tpu.memory_space<hbm>>) target(%arg5 : memref<24576xf32, #tpu.memory_space<vmem>>) target_semaphore(%run_scoped3A : memref<!tpu.dma_semaphore, #tpu.memory_space<semaphore_mem>>)
      %dma_wait3A = arith.constant 0 : i32
      %dma_wait3A_60 = tpu.memref_slice %arg2[%select_n3A, %dma_wait3A] : memref<4x24576xf32, #tpu.memory_space<hbm>> -> memref<1x24576xf32, #tpu.memory_space<hbm>>
      %dma_wait3A_61 = tpu.memref_squeeze %dma_wait3A_60 : memref<1x24576xf32, #tpu.memory_space<hbm>> -> memref<24576xf32, #tpu.memory_space<hbm>>
      %dma_wait3A_62 = arith.constant 0 : i32
      %dma_wait3A_63 = tpu.memref_slice %arg2[%select_n3A, %dma_wait3A_62] : memref<4x24576xf32, #tpu.memory_space<hbm>> -> memref<1x24576xf32, #tpu.memory_space<hbm>>
      %dma_wait3A_64 = tpu.memref_squeeze %dma_wait3A_63 : memref<1x24576xf32, #tpu.memory_space<hbm>> -> memref<24576xf32, #tpu.memory_space<hbm>>
      tpu.wait_dma2 semaphore(%run_scoped3A : memref<!tpu.dma_semaphore, #tpu.memory_space<semaphore_mem>>) src(%dma_wait3A_64 : memref<24576xf32, #tpu.memory_space<hbm>>) dst(%arg5 : memref<24576xf32, #tpu.memory_space<vmem>>)
      tpu.yield
    }) : () -> ()
    %iota3A = tpu.iota {dimensions = array<i32: 0>} : vector<16xi32>
    %scan3A = arith.constant 0 : i32
    %scan3A_33 = arith.constant 0 : i32
    %scan3A_34 = arith.constant 512 : i32
    %scan3A_35 = arith.addi %scan3A_33, %scan3A_34 : i32
    %scan3A_36 = arith.constant 1 : i32
    scf.for %scan3A_55 = %scan3A_33 to %scan3A_35 step %scan3A_36  : i32 {
      %mul3A_56 = arith.constant 16 : i32
      %mul3A_57 = arith.muli %scan3A_55, %mul3A_56 : i32
      %get3A = arith.index_cast %mul3A_57 : i32 to index
      %get3A_58 = tpu.vector_load %arg5[%get3A] {strides = array<i32>} : memref<24576xf32, #tpu.memory_space<vmem>>, vector<16xf32>,
      %add3A_59 = arith.constant 8192 : i32
      %add3A_60 = arith.addi %add3A_59, %mul3A_57 : i32
      %get3A_61 = arith.index_cast %add3A_60 : i32 to index
      %get3A_62 = tpu.vector_load %arg5[%get3A_61] {strides = array<i32>} : memref<24576xf32, #tpu.memory_space<vmem>>, vector<16xf32>,
      %add3A_63 = arith.constant 16384 : i32
      %add3A_64 = arith.addi %add3A_63, %mul3A_57 : i32
      %get3A_65 = arith.index_cast %add3A_64 : i32 to index
      %get3A_66 = tpu.vector_load %arg5[%get3A_65] {strides = array<i32>} : memref<24576xf32, #tpu.memory_space<vmem>>, vector<16xf32>,
      %bitcast3A = vector.bitcast %get3A_58 : vector<16xf32> to vector<16xi32>
      %shift_right_logical3A = arith.constant 16 : i32
      %shift_right_logical3A_67 = vector.broadcast %shift_right_logical3A : i32 to vector<16xi32>
      %shift_right_logical3A_68 = arith.shrui %bitcast3A, %shift_right_logical3A_67 : vector<16xi32>
      %and3A_69 = arith.constant 1 : i32
      %and3A_70 = vector.broadcast %and3A_69 : i32 to vector<16xi32>
      %and3A_71 = arith.andi %shift_right_logical3A_68, %and3A_70 : vector<16xi32>
      %add3A_72 = arith.constant 32767 : i32
      %add3A_73 = vector.broadcast %add3A_72 : i32 to vector<16xi32>
      %add3A_74 = arith.addi %bitcast3A, %add3A_73 : vector<16xi32>
      %add3A_75 = arith.addi %add3A_74, %and3A_71 : vector<16xi32>
      %and3A_76 = arith.constant -65536 : i32
      %and3A_77 = vector.broadcast %and3A_76 : i32 to vector<16xi32>
      %and3A_78 = arith.andi %add3A_75, %and3A_77 : vector<16xi32>
      %bitcast3A_79 = vector.bitcast %and3A_78 : vector<16xi32> to vector<16xf32>
      %swap3A = arith.index_cast %mul3A_57 : i32 to index
      %swap3A_80 = tpu.vector_load %arg6[%swap3A] {strides = array<i32>} : memref<24576xf32, #tpu.memory_space<vmem>>, vector<16xf32>,
      tpu.vector_store %arg6[%swap3A], %bitcast3A_79 {strides = array<i32>} : memref<24576xf32, #tpu.memory_space<vmem>>, vector<16xf32>,
      %bitcast3A_81 = vector.bitcast %get3A_62 : vector<16xf32> to vector<16xi32>
      %shift_right_logical3A_82 = arith.constant 16 : i32
      %shift_right_logical3A_83 = vector.broadcast %shift_right_logical3A_82 : i32 to vector<16xi32>
      %shift_right_logical3A_84 = arith.shrui %bitcast3A_81, %shift_right_logical3A_83 : vector<16xi32>
      %and3A_85 = arith.constant 1 : i32
      %and3A_86 = vector.broadcast %and3A_85 : i32 to vector<16xi32>
      %and3A_87 = arith.andi %shift_right_logical3A_84, %and3A_86 : vector<16xi32>
      %add3A_88 = arith.constant 32767 : i32
      %add3A_89 = vector.broadcast %add3A_88 : i32 to vector<16xi32>
      %add3A_90 = arith.addi %bitcast3A_81, %add3A_89 : vector<16xi32>
      %add3A_91 = arith.addi %add3A_90, %and3A_87 : vector<16xi32>
      %and3A_92 = arith.constant -65536 : i32
      %and3A_93 = vector.broadcast %and3A_92 : i32 to vector<16xi32>
      %and3A_94 = arith.andi %add3A_91, %and3A_93 : vector<16xi32>
      %bitcast3A_95 = vector.bitcast %and3A_94 : vector<16xi32> to vector<16xf32>
      %add3A_96 = arith.constant 8192 : i32
      %add3A_97 = arith.addi %add3A_96, %mul3A_57 : i32
      %swap3A_98 = arith.index_cast %add3A_97 : i32 to index
      %swap3A_99 = tpu.vector_load %arg6[%swap3A_98] {strides = array<i32>} : memref<24576xf32, #tpu.memory_space<vmem>>, vector<16xf32>,
      tpu.vector_store %arg6[%swap3A_98], %bitcast3A_95 {strides = array<i32>} : memref<24576xf32, #tpu.memory_space<vmem>>, vector<16xf32>,
      %bitcast3A_100 = vector.bitcast %get3A_66 : vector<16xf32> to vector<16xi32>
      %shift_right_logical3A_101 = arith.constant 16 : i32
      %shift_right_logical3A_102 = vector.broadcast %shift_right_logical3A_101 : i32 to vector<16xi32>
      %shift_right_logical3A_103 = arith.shrui %bitcast3A_100, %shift_right_logical3A_102 : vector<16xi32>
      %and3A_104 = arith.constant 1 : i32
      %and3A_105 = vector.broadcast %and3A_104 : i32 to vector<16xi32>
      %and3A_106 = arith.andi %shift_right_logical3A_103, %and3A_105 : vector<16xi32>
      %add3A_107 = arith.constant 32767 : i32
      %add3A_108 = vector.broadcast %add3A_107 : i32 to vector<16xi32>
      %add3A_109 = arith.addi %bitcast3A_100, %add3A_108 : vector<16xi32>
      %add3A_110 = arith.addi %add3A_109, %and3A_106 : vector<16xi32>
      %and3A_111 = arith.constant -65536 : i32
      %and3A_112 = vector.broadcast %and3A_111 : i32 to vector<16xi32>
      %and3A_113 = arith.andi %add3A_110, %and3A_112 : vector<16xi32>
      %bitcast3A_114 = vector.bitcast %and3A_113 : vector<16xi32> to vector<16xf32>
      %add3A_115 = arith.constant 16384 : i32
      %add3A_116 = arith.addi %add3A_115, %mul3A_57 : i32
      %swap3A_117 = arith.index_cast %add3A_116 : i32 to index
      %swap3A_118 = tpu.vector_load %arg6[%swap3A_117] {strides = array<i32>} : memref<24576xf32, #tpu.memory_space<vmem>>, vector<16xf32>,
      tpu.vector_store %arg6[%swap3A_117], %bitcast3A_114 {strides = array<i32>} : memref<24576xf32, #tpu.memory_space<vmem>>, vector<16xf32>,
      %mul3A_119 = arith.mulf %get3A_58, %get3A_58 : vector<16xf32>
      %mul3A_120 = arith.mulf %get3A_62, %get3A_62 : vector<16xf32>
      %add3A_121 = arith.addf %mul3A_119, %mul3A_120 : vector<16xf32>
      %mul3A_122 = arith.mulf %get3A_66, %get3A_66 : vector<16xf32>
      %add3A_123 = arith.addf %add3A_121, %mul3A_122 : vector<16xf32>
      %swap3A_124 = arith.index_cast %mul3A_57 : i32 to index
      %swap3A_125 = tpu.vector_load %arg7[%swap3A_124] {strides = array<i32>} : memref<8192xf32, #tpu.memory_space<vmem>>, vector<16xf32>,
      tpu.vector_store %arg7[%swap3A_124], %add3A_123 {strides = array<i32>} : memref<8192xf32, #tpu.memory_space<vmem>>, vector<16xf32>,
    }
    %scan3A_37 = arith.constant 512 : i32
    %scan3A_38 = arith.constant 0 : i32
    %scan3A_39 = arith.constant 0 : i32
    %scan3A_40 = arith.constant 128 : i32
    %scan3A_41 = arith.addi %scan3A_39, %scan3A_40 : i32
    %scan3A_42 = arith.constant 1 : i32
    scf.for %scan3A_55 = %scan3A_39 to %scan3A_41 step %scan3A_42  : i32 {
      %add3A_56 = arith.addi %mul3A_32, %scan3A_55 : i32
      %broadcast_in_dim3A = vector.broadcast %add3A_56 : i32 to vector<16xi32>
      %gather3A = tpu.vector_load_idx %arg5[%broadcast_in_dim3A] : memref<24576xf32, #tpu.memory_space<vmem>>[vector<16xi32>], vector<16xf32>,
      %add3A_57 = arith.constant 8192 : i32
      %add3A_58 = vector.broadcast %add3A_57 : i32 to vector<16xi32>
      %add3A_59 = arith.addi %broadcast_in_dim3A, %add3A_58 : vector<16xi32>
      %gather3A_60 = tpu.vector_load_idx %arg5[%add3A_59] : memref<24576xf32, #tpu.memory_space<vmem>>[vector<16xi32>], vector<16xf32>,
      %add3A_61 = arith.constant 16384 : i32
      %add3A_62 = vector.broadcast %add3A_61 : i32 to vector<16xi32>
      %add3A_63 = arith.addi %broadcast_in_dim3A, %add3A_62 : vector<16xi32>
      %gather3A_64 = tpu.vector_load_idx %arg5[%add3A_63] : memref<24576xf32, #tpu.memory_space<vmem>>[vector<16xi32>], vector<16xf32>,
      %mul3A_65 = arith.mulf %gather3A, %gather3A : vector<16xf32>
      %mul3A_66 = arith.mulf %gather3A_60, %gather3A_60 : vector<16xf32>
      %add3A_67 = arith.addf %mul3A_65, %mul3A_66 : vector<16xf32>
      %mul3A_68 = arith.mulf %gather3A_64, %gather3A_64 : vector<16xf32>
      %add3A_69 = arith.addf %add3A_67, %mul3A_68 : vector<16xf32>
      %bitcast3A = vector.bitcast %gather3A : vector<16xf32> to vector<16xi32>
      %shift_right_logical3A = arith.constant 16 : i32
      %shift_right_logical3A_70 = vector.broadcast %shift_right_logical3A : i32 to vector<16xi32>
      %shift_right_logical3A_71 = arith.shrui %bitcast3A, %shift_right_logical3A_70 : vector<16xi32>
      %and3A_72 = arith.constant 1 : i32
      %and3A_73 = vector.broadcast %and3A_72 : i32 to vector<16xi32>
      %and3A_74 = arith.andi %shift_right_logical3A_71, %and3A_73 : vector<16xi32>
      %add3A_75 = arith.constant 32767 : i32
      %add3A_76 = vector.broadcast %add3A_75 : i32 to vector<16xi32>
      %add3A_77 = arith.addi %bitcast3A, %add3A_76 : vector<16xi32>
      %add3A_78 = arith.addi %add3A_77, %and3A_74 : vector<16xi32>
      %and3A_79 = arith.constant -65536 : i32
      %and3A_80 = vector.broadcast %and3A_79 : i32 to vector<16xi32>
      %and3A_81 = arith.andi %add3A_78, %and3A_80 : vector<16xi32>
      %bitcast3A_82 = vector.bitcast %and3A_81 : vector<16xi32> to vector<16xf32>
      %bitcast3A_83 = vector.bitcast %gather3A_60 : vector<16xf32> to vector<16xi32>
      %shift_right_logical3A_84 = arith.constant 16 : i32
      %shift_right_logical3A_85 = vector.broadcast %shift_right_logical3A_84 : i32 to vector<16xi32>
      %shift_right_logical3A_86 = arith.shrui %bitcast3A_83, %shift_right_logical3A_85 : vector<16xi32>
      %and3A_87 = arith.constant 1 : i32
      %and3A_88 = vector.broadcast %and3A_87 : i32 to vector<16xi32>
      %and3A_89 = arith.andi %shift_right_logical3A_86, %and3A_88 : vector<16xi32>
      %add3A_90 = arith.constant 32767 : i32
      %add3A_91 = vector.broadcast %add3A_90 : i32 to vector<16xi32>
      %add3A_92 = arith.addi %bitcast3A_83, %add3A_91 : vector<16xi32>
      %add3A_93 = arith.addi %add3A_92, %and3A_89 : vector<16xi32>
      %and3A_94 = arith.constant -65536 : i32
      %and3A_95 = vector.broadcast %and3A_94 : i32 to vector<16xi32>
      %and3A_96 = arith.andi %add3A_93, %and3A_95 : vector<16xi32>
      %bitcast3A_97 = vector.bitcast %and3A_96 : vector<16xi32> to vector<16xf32>
      %bitcast3A_98 = vector.bitcast %gather3A_64 : vector<16xf32> to vector<16xi32>
      %shift_right_logical3A_99 = arith.constant 16 : i32
      %shift_right_logical3A_100 = vector.broadcast %shift_right_logical3A_99 : i32 to vector<16xi32>
      %shift_right_logical3A_101 = arith.shrui %bitcast3A_98, %shift_right_logical3A_100 : vector<16xi32>
      %and3A_102 = arith.constant 1 : i32
      %and3A_103 = vector.broadcast %and3A_102 : i32 to vector<16xi32>
      %and3A_104 = arith.andi %shift_right_logical3A_101, %and3A_103 : vector<16xi32>
      %add3A_105 = arith.constant 32767 : i32
      %add3A_106 = vector.broadcast %add3A_105 : i32 to vector<16xi32>
      %add3A_107 = arith.addi %bitcast3A_98, %add3A_106 : vector<16xi32>
      %add3A_108 = arith.addi %add3A_107, %and3A_104 : vector<16xi32>
      %and3A_109 = arith.constant -65536 : i32
      %and3A_110 = vector.broadcast %and3A_109 : i32 to vector<16xi32>
      %and3A_111 = arith.andi %add3A_108, %and3A_110 : vector<16xi32>
      %bitcast3A_112 = vector.bitcast %and3A_111 : vector<16xi32> to vector<16xf32>
      %mul3A_113 = arith.constant -2.000000e+00 : f32
      %mul3A_114 = vector.broadcast %mul3A_113 : f32 to vector<16xf32>
      %mul3A_115 = arith.mulf %mul3A_114, %bitcast3A_82 : vector<16xf32>
      %mul3A_116 = arith.constant -2.000000e+00 : f32
      %mul3A_117 = vector.broadcast %mul3A_116 : f32 to vector<16xf32>
      %mul3A_118 = arith.mulf %mul3A_117, %bitcast3A_97 : vector<16xf32>
      %mul3A_119 = arith.constant -2.000000e+00 : f32
      %mul3A_120 = vector.broadcast %mul3A_119 : f32 to vector<16xf32>
      %mul3A_121 = arith.mulf %mul3A_120, %bitcast3A_112 : vector<16xf32>
      %mul3A_122 = arith.constant 32 : i32
      %mul3A_123 = arith.muli %scan3A_55, %mul3A_122 : i32
      %mul3A_124 = arith.constant 320 : i32
      %mul3A_125 = arith.muli %scan3A_55, %mul3A_124 : i32
      %while3A = arith.constant 0 : i32
      %while3A_126 = arith.constant 0 : i32
      %while3A_127:2 = scf.while (%while3A_156 = %while3A, %while3A_157 = %while3A_126) : (i32, i32) -> (i32, i32) {
        %lt3A_158 = arith.constant 32 : i32
        %lt3A_159 = arith.cmpi slt, %while3A_157, %lt3A_158 : i32
        %lt3A_160 = arith.constant 32 : i32
        %lt3A_161 = arith.cmpi slt, %while3A_156, %lt3A_160 : i32
        %and3A_162 = arith.andi %lt3A_159, %lt3A_161 : i1
        scf.condition(%and3A_162) %while3A_156, %while3A_157 : i32, i32
      } do {
      ^bb0(%while3A_156: i32, %while3A_157: i32):
        %mul3A_158 = arith.constant 256 : i32
        %mul3A_159 = arith.muli %while3A_156, %mul3A_158 : i32
        %add3A_160 = arith.constant 0 : i32
        %add3A_161 = arith.addi %mul3A_159, %add3A_160 : i32
        %get3A_162 = arith.index_cast %add3A_161 : i32 to index
        %get3A_163 = tpu.vector_load %arg6[%get3A_162] {strides = array<i32>} : memref<24576xf32, #tpu.memory_space<vmem>>, vector<16xf32>,
        %mul3A_164 = arith.mulf %mul3A_115, %get3A_163 : vector<16xf32>
        %add3A_165 = arith.constant 8192 : i32
        %add3A_166 = arith.addi %add3A_165, %add3A_161 : i32
        %get3A_167 = arith.index_cast %add3A_166 : i32 to index
        %get3A_168 = tpu.vector_load %arg6[%get3A_167] {strides = array<i32>} : memref<24576xf32, #tpu.memory_space<vmem>>, vector<16xf32>,
        %mul3A_169 = arith.mulf %mul3A_118, %get3A_168 : vector<16xf32>
        %add3A_170 = arith.addf %mul3A_164, %mul3A_169 : vector<16xf32>
        %add3A_171 = arith.constant 16384 : i32
        %add3A_172 = arith.addi %add3A_171, %add3A_161 : i32
        %get3A_173 = arith.index_cast %add3A_172 : i32 to index
        %get3A_174 = tpu.vector_load %arg6[%get3A_173] {strides = array<i32>} : memref<24576xf32, #tpu.memory_space<vmem>>, vector<16xf32>,
        %mul3A_175 = arith.mulf %mul3A_121, %get3A_174 : vector<16xf32>
        %add3A_176 = arith.addf %add3A_170, %mul3A_175 : vector<16xf32>
        %add3A_177 = arith.addf %add3A_176, %add3A_69 : vector<16xf32>
        %get3A_178 = arith.index_cast %add3A_161 : i32 to index
        %get3A_179 = tpu.vector_load %arg7[%get3A_178] {strides = array<i32>} : memref<8192xf32, #tpu.memory_space<vmem>>, vector<16xf32>,
        %add3A_180 = arith.addf %add3A_177, %get3A_179 : vector<16xf32>
        %le3A = arith.constant 4.000000e-02 : f32
        %le3A_181 = vector.broadcast %le3A : f32 to vector<16xf32>
        %le3A_182 = arith.cmpf ole, %add3A_180, %le3A_181 : vector<16xf32>
        %all_reduce_population_count3A = tpu.all_reduce %le3A_182 {dim = 0 : i64, kind = #tpu.reduction_kind<sum>} : vector<16xi1> -> vector<16xi32>
        %slice3A = vector.extract_strided_slice %all_reduce_population_count3A {offsets = [0], sizes = [1], strides = [1]} : vector<16xi32> to vector<1xi32>
        %squeeze3A = vector.extract %slice3A[0] : i32 from vector<1xi32>
        %mul3A_183 = arith.constant 256 : i32
        %mul3A_184 = arith.muli %while3A_156, %mul3A_183 : i32
        %add3A_185 = arith.constant 16 : i32
        %add3A_186 = arith.addi %mul3A_184, %add3A_185 : i32
        %get3A_187 = arith.index_cast %add3A_186 : i32 to index
        %get3A_188 = tpu.vector_load %arg6[%get3A_187] {strides = array<i32>} : memref<24576xf32, #tpu.memory_space<vmem>>, vector<16xf32>,
        %mul3A_189 = arith.mulf %mul3A_115, %get3A_188 : vector<16xf32>
        %add3A_190 = arith.constant 8192 : i32
        %add3A_191 = arith.addi %add3A_190, %add3A_186 : i32
        %get3A_192 = arith.index_cast %add3A_191 : i32 to index
        %get3A_193 = tpu.vector_load %arg6[%get3A_192] {strides = array<i32>} : memref<24576xf32, #tpu.memory_space<vmem>>, vector<16xf32>,
        %mul3A_194 = arith.mulf %mul3A_118, %get3A_193 : vector<16xf32>
        %add3A_195 = arith.addf %mul3A_189, %mul3A_194 : vector<16xf32>
        %add3A_196 = arith.constant 16384 : i32
        %add3A_197 = arith.addi %add3A_196, %add3A_186 : i32
        %get3A_198 = arith.index_cast %add3A_197 : i32 to index
        %get3A_199 = tpu.vector_load %arg6[%get3A_198] {strides = array<i32>} : memref<24576xf32, #tpu.memory_space<vmem>>, vector<16xf32>,
        %mul3A_200 = arith.mulf %mul3A_121, %get3A_199 : vector<16xf32>
        %add3A_201 = arith.addf %add3A_195, %mul3A_200 : vector<16xf32>
        %add3A_202 = arith.addf %add3A_201, %add3A_69 : vector<16xf32>
        %get3A_203 = arith.index_cast %add3A_186 : i32 to index
        %get3A_204 = tpu.vector_load %arg7[%get3A_203] {strides = array<i32>} : memref<8192xf32, #tpu.memory_space<vmem>>, vector<16xf32>,
        %add3A_205 = arith.addf %add3A_202, %get3A_204 : vector<16xf32>
        %le3A_206 = arith.constant 4.000000e-02 : f32
        %le3A_207 = vector.broadcast %le3A_206 : f32 to vector<16xf32>
        %le3A_208 = arith.cmpf ole, %add3A_205, %le3A_207 : vector<16xf32>
        %all_reduce_population_count3A_209 = tpu.all_reduce %le3A_208 {dim = 0 : i64, kind = #tpu.reduction_kind<sum>} : vector<16xi1> -> vector<16xi32>
        %slice3A_210 = vector.extract_strided_slice %all_reduce_population_count3A_209 {offsets = [0], sizes = [1], strides = [1]} : vector<16xi32> to vector<1xi32>
        %squeeze3A_211 = vector.extract %slice3A_210[0] : i32 from vector<1xi32>
        %mul3A_212 = arith.constant 256 : i32
        %mul3A_213 = arith.muli %while3A_156, %mul3A_212 : i32
        %add3A_214 = arith.constant 32 : i32
        %add3A_215 = arith.addi %mul3A_213, %add3A_214 : i32
        %get3A_216 = arith.index_cast %add3A_215 : i32 to index
        %get3A_217 = tpu.vector_load %arg6[%get3A_216] {strides = array<i32>} : memref<24576xf32, #tpu.memory_space<vmem>>, vector<16xf32>,
        %mul3A_218 = arith.mulf %mul3A_115, %get3A_217 : vector<16xf32>
        %add3A_219 = arith.constant 8192 : i32
        %add3A_220 = arith.addi %add3A_219, %add3A_215 : i32
        %get3A_221 = arith.index_cast %add3A_220 : i32 to index
        %get3A_222 = tpu.vector_load %arg6[%get3A_221] {strides = array<i32>} : memref<24576xf32, #tpu.memory_space<vmem>>, vector<16xf32>,
        %mul3A_223 = arith.mulf %mul3A_118, %get3A_222 : vector<16xf32>
        %add3A_224 = arith.addf %mul3A_218, %mul3A_223 : vector<16xf32>
        %add3A_225 = arith.constant 16384 : i32
        %add3A_226 = arith.addi %add3A_225, %add3A_215 : i32
        %get3A_227 = arith.index_cast %add3A_226 : i32 to index
        %get3A_228 = tpu.vector_load %arg6[%get3A_227] {strides = array<i32>} : memref<24576xf32, #tpu.memory_space<vmem>>, vector<16xf32>,
        %mul3A_229 = arith.mulf %mul3A_121, %get3A_228 : vector<16xf32>
        %add3A_230 = arith.addf %add3A_224, %mul3A_229 : vector<16xf32>
        %add3A_231 = arith.addf %add3A_230, %add3A_69 : vector<16xf32>
        %get3A_232 = arith.index_cast %add3A_215 : i32 to index
        %get3A_233 = tpu.vector_load %arg7[%get3A_232] {strides = array<i32>} : memref<8192xf32, #tpu.memory_space<vmem>>, vector<16xf32>,
        %add3A_234 = arith.addf %add3A_231, %get3A_233 : vector<16xf32>
        %le3A_235 = arith.constant 4.000000e-02 : f32
        %le3A_236 = vector.broadcast %le3A_235 : f32 to vector<16xf32>
        %le3A_237 = arith.cmpf ole, %add3A_234, %le3A_236 : vector<16xf32>
        %all_reduce_population_count3A_238 = tpu.all_reduce %le3A_237 {dim = 0 : i64, kind = #tpu.reduction_kind<sum>} : vector<16xi1> -> vector<16xi32>
        %slice3A_239 = vector.extract_strided_slice %all_reduce_population_count3A_238 {offsets = [0], sizes = [1], strides = [1]} : vector<16xi32> to vector<1xi32>
        %squeeze3A_240 = vector.extract %slice3A_239[0] : i32 from vector<1xi32>
        %mul3A_241 = arith.constant 256 : i32
        %mul3A_242 = arith.muli %while3A_156, %mul3A_241 : i32
        %add3A_243 = arith.constant 48 : i32
        %add3A_244 = arith.addi %mul3A_242, %add3A_243 : i32
        %get3A_245 = arith.index_cast %add3A_244 : i32 to index
        %get3A_246 = tpu.vector_load %arg6[%get3A_245] {strides = array<i32>} : memref<24576xf32, #tpu.memory_space<vmem>>, vector<16xf32>,
        %mul3A_247 = arith.mulf %mul3A_115, %get3A_246 : vector<16xf32>
        %add3A_248 = arith.constant 8192 : i32
        %add3A_249 = arith.addi %add3A_248, %add3A_244 : i32
        %get3A_250 = arith.index_cast %add3A_249 : i32 to index
        %get3A_251 = tpu.vector_load %arg6[%get3A_250] {strides = array<i32>} : memref<24576xf32, #tpu.memory_space<vmem>>, vector<16xf32>,
        %mul3A_252 = arith.mulf %mul3A_118, %get3A_251 : vector<16xf32>
        %add3A_253 = arith.addf %mul3A_247, %mul3A_252 : vector<16xf32>
        %add3A_254 = arith.constant 16384 : i32
        %add3A_255 = arith.addi %add3A_254, %add3A_244 : i32
        %get3A_256 = arith.index_cast %add3A_255 : i32 to index
        %get3A_257 = tpu.vector_load %arg6[%get3A_256] {strides = array<i32>} : memref<24576xf32, #tpu.memory_space<vmem>>, vector<16xf32>,
        %mul3A_258 = arith.mulf %mul3A_121, %get3A_257 : vector<16xf32>
        %add3A_259 = arith.addf %add3A_253, %mul3A_258 : vector<16xf32>
        %add3A_260 = arith.addf %add3A_259, %add3A_69 : vector<16xf32>
        %get3A_261 = arith.index_cast %add3A_244 : i32 to index
        %get3A_262 = tpu.vector_load %arg7[%get3A_261] {strides = array<i32>} : memref<8192xf32, #tpu.memory_space<vmem>>, vector<16xf32>,
        %add3A_263 = arith.addf %add3A_260, %get3A_262 : vector<16xf32>
        %le3A_264 = arith.constant 4.000000e-02 : f32
        %le3A_265 = vector.broadcast %le3A_264 : f32 to vector<16xf32>
        %le3A_266 = arith.cmpf ole, %add3A_263, %le3A_265 : vector<16xf32>
        %all_reduce_population_count3A_267 = tpu.all_reduce %le3A_266 {dim = 0 : i64, kind = #tpu.reduction_kind<sum>} : vector<16xi1> -> vector<16xi32>
        %slice3A_268 = vector.extract_strided_slice %all_reduce_population_count3A_267 {offsets = [0], sizes = [1], strides = [1]} : vector<16xi32> to vector<1xi32>
        %squeeze3A_269 = vector.extract %slice3A_268[0] : i32 from vector<1xi32>
        %mul3A_270 = arith.constant 256 : i32
        %mul3A_271 = arith.muli %while3A_156, %mul3A_270 : i32
        %add3A_272 = arith.constant 64 : i32
        %add3A_273 = arith.addi %mul3A_271, %add3A_272 : i32
        %get3A_274 = arith.index_cast %add3A_273 : i32 to index
        %get3A_275 = tpu.vector_load %arg6[%get3A_274] {strides = array<i32>} : memref<24576xf32, #tpu.memory_space<vmem>>, vector<16xf32>,
        %mul3A_276 = arith.mulf %mul3A_115, %get3A_275 : vector<16xf32>
        %add3A_277 = arith.constant 8192 : i32
        %add3A_278 = arith.addi %add3A_277, %add3A_273 : i32
        %get3A_279 = arith.index_cast %add3A_278 : i32 to index
        %get3A_280 = tpu.vector_load %arg6[%get3A_279] {strides = array<i32>} : memref<24576xf32, #tpu.memory_space<vmem>>, vector<16xf32>,
        %mul3A_281 = arith.mulf %mul3A_118, %get3A_280 : vector<16xf32>
        %add3A_282 = arith.addf %mul3A_276, %mul3A_281 : vector<16xf32>
        %add3A_283 = arith.constant 16384 : i32
        %add3A_284 = arith.addi %add3A_283, %add3A_273 : i32
        %get3A_285 = arith.index_cast %add3A_284 : i32 to index
        %get3A_286 = tpu.vector_load %arg6[%get3A_285] {strides = array<i32>} : memref<24576xf32, #tpu.memory_space<vmem>>, vector<16xf32>,
        %mul3A_287 = arith.mulf %mul3A_121, %get3A_286 : vector<16xf32>
        %add3A_288 = arith.addf %add3A_282, %mul3A_287 : vector<16xf32>
        %add3A_289 = arith.addf %add3A_288, %add3A_69 : vector<16xf32>
        %get3A_290 = arith.index_cast %add3A_273 : i32 to index
        %get3A_291 = tpu.vector_load %arg7[%get3A_290] {strides = array<i32>} : memref<8192xf32, #tpu.memory_space<vmem>>, vector<16xf32>,
        %add3A_292 = arith.addf %add3A_289, %get3A_291 : vector<16xf32>
        %le3A_293 = arith.constant 4.000000e-02 : f32
        %le3A_294 = vector.broadcast %le3A_293 : f32 to vector<16xf32>
        %le3A_295 = arith.cmpf ole, %add3A_292, %le3A_294 : vector<16xf32>
        %all_reduce_population_count3A_296 = tpu.all_reduce %le3A_295 {dim = 0 : i64, kind = #tpu.reduction_kind<sum>} : vector<16xi1> -> vector<16xi32>
        %slice3A_297 = vector.extract_strided_slice %all_reduce_population_count3A_296 {offsets = [0], sizes = [1], strides = [1]} : vector<16xi32> to vector<1xi32>
        %squeeze3A_298 = vector.extract %slice3A_297[0] : i32 from vector<1xi32>
        %mul3A_299 = arith.constant 256 : i32
        %mul3A_300 = arith.muli %while3A_156, %mul3A_299 : i32
        %add3A_301 = arith.constant 80 : i32
        %add3A_302 = arith.addi %mul3A_300, %add3A_301 : i32
        %get3A_303 = arith.index_cast %add3A_302 : i32 to index
        %get3A_304 = tpu.vector_load %arg6[%get3A_303] {strides = array<i32>} : memref<24576xf32, #tpu.memory_space<vmem>>, vector<16xf32>,
        %mul3A_305 = arith.mulf %mul3A_115, %get3A_304 : vector<16xf32>
        %add3A_306 = arith.constant 8192 : i32
        %add3A_307 = arith.addi %add3A_306, %add3A_302 : i32
        %get3A_308 = arith.index_cast %add3A_307 : i32 to index
        %get3A_309 = tpu.vector_load %arg6[%get3A_308] {strides = array<i32>} : memref<24576xf32, #tpu.memory_space<vmem>>, vector<16xf32>,
        %mul3A_310 = arith.mulf %mul3A_118, %get3A_309 : vector<16xf32>
        %add3A_311 = arith.addf %mul3A_305, %mul3A_310 : vector<16xf32>
        %add3A_312 = arith.constant 16384 : i32
        %add3A_313 = arith.addi %add3A_312, %add3A_302 : i32
        %get3A_314 = arith.index_cast %add3A_313 : i32 to index
        %get3A_315 = tpu.vector_load %arg6[%get3A_314] {strides = array<i32>} : memref<24576xf32, #tpu.memory_space<vmem>>, vector<16xf32>,
        %mul3A_316 = arith.mulf %mul3A_121, %get3A_315 : vector<16xf32>
        %add3A_317 = arith.addf %add3A_311, %mul3A_316 : vector<16xf32>
        %add3A_318 = arith.addf %add3A_317, %add3A_69 : vector<16xf32>
        %get3A_319 = arith.index_cast %add3A_302 : i32 to index
        %get3A_320 = tpu.vector_load %arg7[%get3A_319] {strides = array<i32>} : memref<8192xf32, #tpu.memory_space<vmem>>, vector<16xf32>,
        %add3A_321 = arith.addf %add3A_318, %get3A_320 : vector<16xf32>
        %le3A_322 = arith.constant 4.000000e-02 : f32
        %le3A_323 = vector.broadcast %le3A_322 : f32 to vector<16xf32>
        %le3A_324 = arith.cmpf ole, %add3A_321, %le3A_323 : vector<16xf32>
        %all_reduce_population_count3A_325 = tpu.all_reduce %le3A_324 {dim = 0 : i64, kind = #tpu.reduction_kind<sum>} : vector<16xi1> -> vector<16xi32>
        %slice3A_326 = vector.extract_strided_slice %all_reduce_population_count3A_325 {offsets = [0], sizes = [1], strides = [1]} : vector<16xi32> to vector<1xi32>
        %squeeze3A_327 = vector.extract %slice3A_326[0] : i32 from vector<1xi32>
        %mul3A_328 = arith.constant 256 : i32
        %mul3A_329 = arith.muli %while3A_156, %mul3A_328 : i32
        %add3A_330 = arith.constant 96 : i32
        %add3A_331 = arith.addi %mul3A_329, %add3A_330 : i32
        %get3A_332 = arith.index_cast %add3A_331 : i32 to index
        %get3A_333 = tpu.vector_load %arg6[%get3A_332] {strides = array<i32>} : memref<24576xf32, #tpu.memory_space<vmem>>, vector<16xf32>,
        %mul3A_334 = arith.mulf %mul3A_115, %get3A_333 : vector<16xf32>
        %add3A_335 = arith.constant 8192 : i32
        %add3A_336 = arith.addi %add3A_335, %add3A_331 : i32
        %get3A_337 = arith.index_cast %add3A_336 : i32 to index
        %get3A_338 = tpu.vector_load %arg6[%get3A_337] {strides = array<i32>} : memref<24576xf32, #tpu.memory_space<vmem>>, vector<16xf32>,
        %mul3A_339 = arith.mulf %mul3A_118, %get3A_338 : vector<16xf32>
        %add3A_340 = arith.addf %mul3A_334, %mul3A_339 : vector<16xf32>
        %add3A_341 = arith.constant 16384 : i32
        %add3A_342 = arith.addi %add3A_341, %add3A_331 : i32
        %get3A_343 = arith.index_cast %add3A_342 : i32 to index
        %get3A_344 = tpu.vector_load %arg6[%get3A_343] {strides = array<i32>} : memref<24576xf32, #tpu.memory_space<vmem>>, vector<16xf32>,
        %mul3A_345 = arith.mulf %mul3A_121, %get3A_344 : vector<16xf32>
        %add3A_346 = arith.addf %add3A_340, %mul3A_345 : vector<16xf32>
        %add3A_347 = arith.addf %add3A_346, %add3A_69 : vector<16xf32>
        %get3A_348 = arith.index_cast %add3A_331 : i32 to index
        %get3A_349 = tpu.vector_load %arg7[%get3A_348] {strides = array<i32>} : memref<8192xf32, #tpu.memory_space<vmem>>, vector<16xf32>,
        %add3A_350 = arith.addf %add3A_347, %get3A_349 : vector<16xf32>
        %le3A_351 = arith.constant 4.000000e-02 : f32
        %le3A_352 = vector.broadcast %le3A_351 : f32 to vector<16xf32>
        %le3A_353 = arith.cmpf ole, %add3A_350, %le3A_352 : vector<16xf32>
        %all_reduce_population_count3A_354 = tpu.all_reduce %le3A_353 {dim = 0 : i64, kind = #tpu.reduction_kind<sum>} : vector<16xi1> -> vector<16xi32>
        %slice3A_355 = vector.extract_strided_slice %all_reduce_population_count3A_354 {offsets = [0], sizes = [1], strides = [1]} : vector<16xi32> to vector<1xi32>
        %squeeze3A_356 = vector.extract %slice3A_355[0] : i32 from vector<1xi32>
        %mul3A_357 = arith.constant 256 : i32
        %mul3A_358 = arith.muli %while3A_156, %mul3A_357 : i32
        %add3A_359 = arith.constant 112 : i32
        %add3A_360 = arith.addi %mul3A_358, %add3A_359 : i32
        %get3A_361 = arith.index_cast %add3A_360 : i32 to index
        %get3A_362 = tpu.vector_load %arg6[%get3A_361] {strides = array<i32>} : memref<24576xf32, #tpu.memory_space<vmem>>, vector<16xf32>,
        %mul3A_363 = arith.mulf %mul3A_115, %get3A_362 : vector<16xf32>
        %add3A_364 = arith.constant 8192 : i32
        %add3A_365 = arith.addi %add3A_364, %add3A_360 : i32
        %get3A_366 = arith.index_cast %add3A_365 : i32 to index
        %get3A_367 = tpu.vector_load %arg6[%get3A_366] {strides = array<i32>} : memref<24576xf32, #tpu.memory_space<vmem>>, vector<16xf32>,
        %mul3A_368 = arith.mulf %mul3A_118, %get3A_367 : vector<16xf32>
        %add3A_369 = arith.addf %mul3A_363, %mul3A_368 : vector<16xf32>
        %add3A_370 = arith.constant 16384 : i32
        %add3A_371 = arith.addi %add3A_370, %add3A_360 : i32
        %get3A_372 = arith.index_cast %add3A_371 : i32 to index
        %get3A_373 = tpu.vector_load %arg6[%get3A_372] {strides = array<i32>} : memref<24576xf32, #tpu.memory_space<vmem>>, vector<16xf32>,
        %mul3A_374 = arith.mulf %mul3A_121, %get3A_373 : vector<16xf32>
        %add3A_375 = arith.addf %add3A_369, %mul3A_374 : vector<16xf32>
        %add3A_376 = arith.addf %add3A_375, %add3A_69 : vector<16xf32>
        %get3A_377 = arith.index_cast %add3A_360 : i32 to index
        %get3A_378 = tpu.vector_load %arg7[%get3A_377] {strides = array<i32>} : memref<8192xf32, #tpu.memory_space<vmem>>, vector<16xf32>,
        %add3A_379 = arith.addf %add3A_376, %get3A_378 : vector<16xf32>
        %le3A_380 = arith.constant 4.000000e-02 : f32
        %le3A_381 = vector.broadcast %le3A_380 : f32 to vector<16xf32>
        %le3A_382 = arith.cmpf ole, %add3A_379, %le3A_381 : vector<16xf32>
        %all_reduce_population_count3A_383 = tpu.all_reduce %le3A_382 {dim = 0 : i64, kind = #tpu.reduction_kind<sum>} : vector<16xi1> -> vector<16xi32>
        %slice3A_384 = vector.extract_strided_slice %all_reduce_population_count3A_383 {offsets = [0], sizes = [1], strides = [1]} : vector<16xi32> to vector<1xi32>
        %squeeze3A_385 = vector.extract %slice3A_384[0] : i32 from vector<1xi32>
        %mul3A_386 = arith.constant 256 : i32
        %mul3A_387 = arith.muli %while3A_156, %mul3A_386 : i32
        %add3A_388 = arith.constant 128 : i32
        %add3A_389 = arith.addi %mul3A_387, %add3A_388 : i32
        %get3A_390 = arith.index_cast %add3A_389 : i32 to index
        %get3A_391 = tpu.vector_load %arg6[%get3A_390] {strides = array<i32>} : memref<24576xf32, #tpu.memory_space<vmem>>, vector<16xf32>,
        %mul3A_392 = arith.mulf %mul3A_115, %get3A_391 : vector<16xf32>
        %add3A_393 = arith.constant 8192 : i32
        %add3A_394 = arith.addi %add3A_393, %add3A_389 : i32
        %get3A_395 = arith.index_cast %add3A_394 : i32 to index
        %get3A_396 = tpu.vector_load %arg6[%get3A_395] {strides = array<i32>} : memref<24576xf32, #tpu.memory_space<vmem>>, vector<16xf32>,
        %mul3A_397 = arith.mulf %mul3A_118, %get3A_396 : vector<16xf32>
        %add3A_398 = arith.addf %mul3A_392, %mul3A_397 : vector<16xf32>
        %add3A_399 = arith.constant 16384 : i32
        %add3A_400 = arith.addi %add3A_399, %add3A_389 : i32
        %get3A_401 = arith.index_cast %add3A_400 : i32 to index
        %get3A_402 = tpu.vector_load %arg6[%get3A_401] {strides = array<i32>} : memref<24576xf32, #tpu.memory_space<vmem>>, vector<16xf32>,
        %mul3A_403 = arith.mulf %mul3A_121, %get3A_402 : vector<16xf32>
        %add3A_404 = arith.addf %add3A_398, %mul3A_403 : vector<16xf32>
        %add3A_405 = arith.addf %add3A_404, %add3A_69 : vector<16xf32>
        %get3A_406 = arith.index_cast %add3A_389 : i32 to index
        %get3A_407 = tpu.vector_load %arg7[%get3A_406] {strides = array<i32>} : memref<8192xf32, #tpu.memory_space<vmem>>, vector<16xf32>,
        %add3A_408 = arith.addf %add3A_405, %get3A_407 : vector<16xf32>
        %le3A_409 = arith.constant 4.000000e-02 : f32
        %le3A_410 = vector.broadcast %le3A_409 : f32 to vector<16xf32>
        %le3A_411 = arith.cmpf ole, %add3A_408, %le3A_410 : vector<16xf32>
        %all_reduce_population_count3A_412 = tpu.all_reduce %le3A_411 {dim = 0 : i64, kind = #tpu.reduction_kind<sum>} : vector<16xi1> -> vector<16xi32>
        %slice3A_413 = vector.extract_strided_slice %all_reduce_population_count3A_412 {offsets = [0], sizes = [1], strides = [1]} : vector<16xi32> to vector<1xi32>
        %squeeze3A_414 = vector.extract %slice3A_413[0] : i32 from vector<1xi32>
        %mul3A_415 = arith.constant 256 : i32
        %mul3A_416 = arith.muli %while3A_156, %mul3A_415 : i32
        %add3A_417 = arith.constant 144 : i32
        %add3A_418 = arith.addi %mul3A_416, %add3A_417 : i32
        %get3A_419 = arith.index_cast %add3A_418 : i32 to index
        %get3A_420 = tpu.vector_load %arg6[%get3A_419] {strides = array<i32>} : memref<24576xf32, #tpu.memory_space<vmem>>, vector<16xf32>,
        %mul3A_421 = arith.mulf %mul3A_115, %get3A_420 : vector<16xf32>
        %add3A_422 = arith.constant 8192 : i32
        %add3A_423 = arith.addi %add3A_422, %add3A_418 : i32
        %get3A_424 = arith.index_cast %add3A_423 : i32 to index
        %get3A_425 = tpu.vector_load %arg6[%get3A_424] {strides = array<i32>} : memref<24576xf32, #tpu.memory_space<vmem>>, vector<16xf32>,
        %mul3A_426 = arith.mulf %mul3A_118, %get3A_425 : vector<16xf32>
        %add3A_427 = arith.addf %mul3A_421, %mul3A_426 : vector<16xf32>
        %add3A_428 = arith.constant 16384 : i32
        %add3A_429 = arith.addi %add3A_428, %add3A_418 : i32
        %get3A_430 = arith.index_cast %add3A_429 : i32 to index
        %get3A_431 = tpu.vector_load %arg6[%get3A_430] {strides = array<i32>} : memref<24576xf32, #tpu.memory_space<vmem>>, vector<16xf32>,
        %mul3A_432 = arith.mulf %mul3A_121, %get3A_431 : vector<16xf32>
        %add3A_433 = arith.addf %add3A_427, %mul3A_432 : vector<16xf32>
        %add3A_434 = arith.addf %add3A_433, %add3A_69 : vector<16xf32>
        %get3A_435 = arith.index_cast %add3A_418 : i32 to index
        %get3A_436 = tpu.vector_load %arg7[%get3A_435] {strides = array<i32>} : memref<8192xf32, #tpu.memory_space<vmem>>, vector<16xf32>,
        %add3A_437 = arith.addf %add3A_434, %get3A_436 : vector<16xf32>
        %le3A_438 = arith.constant 4.000000e-02 : f32
        %le3A_439 = vector.broadcast %le3A_438 : f32 to vector<16xf32>
        %le3A_440 = arith.cmpf ole, %add3A_437, %le3A_439 : vector<16xf32>
        %all_reduce_population_count3A_441 = tpu.all_reduce %le3A_440 {dim = 0 : i64, kind = #tpu.reduction_kind<sum>} : vector<16xi1> -> vector<16xi32>
        %slice3A_442 = vector.extract_strided_slice %all_reduce_population_count3A_441 {offsets = [0], sizes = [1], strides = [1]} : vector<16xi32> to vector<1xi32>
        %squeeze3A_443 = vector.extract %slice3A_442[0] : i32 from vector<1xi32>
        %mul3A_444 = arith.constant 256 : i32
        %mul3A_445 = arith.muli %while3A_156, %mul3A_444 : i32
        %add3A_446 = arith.constant 160 : i32
        %add3A_447 = arith.addi %mul3A_445, %add3A_446 : i32
        %get3A_448 = arith.index_cast %add3A_447 : i32 to index
        %get3A_449 = tpu.vector_load %arg6[%get3A_448] {strides = array<i32>} : memref<24576xf32, #tpu.memory_space<vmem>>, vector<16xf32>,
        %mul3A_450 = arith.mulf %mul3A_115, %get3A_449 : vector<16xf32>
        %add3A_451 = arith.constant 8192 : i32
        %add3A_452 = arith.addi %add3A_451, %add3A_447 : i32
        %get3A_453 = arith.index_cast %add3A_452 : i32 to index
        %get3A_454 = tpu.vector_load %arg6[%get3A_453] {strides = array<i32>} : memref<24576xf32, #tpu.memory_space<vmem>>, vector<16xf32>,
        %mul3A_455 = arith.mulf %mul3A_118, %get3A_454 : vector<16xf32>
        %add3A_456 = arith.addf %mul3A_450, %mul3A_455 : vector<16xf32>
        %add3A_457 = arith.constant 16384 : i32
        %add3A_458 = arith.addi %add3A_457, %add3A_447 : i32
        %get3A_459 = arith.index_cast %add3A_458 : i32 to index
        %get3A_460 = tpu.vector_load %arg6[%get3A_459] {strides = array<i32>} : memref<24576xf32, #tpu.memory_space<vmem>>, vector<16xf32>,
        %mul3A_461 = arith.mulf %mul3A_121, %get3A_460 : vector<16xf32>
        %add3A_462 = arith.addf %add3A_456, %mul3A_461 : vector<16xf32>
        %add3A_463 = arith.addf %add3A_462, %add3A_69 : vector<16xf32>
        %get3A_464 = arith.index_cast %add3A_447 : i32 to index
        %get3A_465 = tpu.vector_load %arg7[%get3A_464] {strides = array<i32>} : memref<8192xf32, #tpu.memory_space<vmem>>, vector<16xf32>,
        %add3A_466 = arith.addf %add3A_463, %get3A_465 : vector<16xf32>
        %le3A_467 = arith.constant 4.000000e-02 : f32
        %le3A_468 = vector.broadcast %le3A_467 : f32 to vector<16xf32>
        %le3A_469 = arith.cmpf ole, %add3A_466, %le3A_468 : vector<16xf32>
        %all_reduce_population_count3A_470 = tpu.all_reduce %le3A_469 {dim = 0 : i64, kind = #tpu.reduction_kind<sum>} : vector<16xi1> -> vector<16xi32>
        %slice3A_471 = vector.extract_strided_slice %all_reduce_population_count3A_470 {offsets = [0], sizes = [1], strides = [1]} : vector<16xi32> to vector<1xi32>
        %squeeze3A_472 = vector.extract %slice3A_471[0] : i32 from vector<1xi32>
        %mul3A_473 = arith.constant 256 : i32
        %mul3A_474 = arith.muli %while3A_156, %mul3A_473 : i32
        %add3A_475 = arith.constant 176 : i32
        %add3A_476 = arith.addi %mul3A_474, %add3A_475 : i32
        %get3A_477 = arith.index_cast %add3A_476 : i32 to index
        %get3A_478 = tpu.vector_load %arg6[%get3A_477] {strides = array<i32>} : memref<24576xf32, #tpu.memory_space<vmem>>, vector<16xf32>,
        %mul3A_479 = arith.mulf %mul3A_115, %get3A_478 : vector<16xf32>
        %add3A_480 = arith.constant 8192 : i32
        %add3A_481 = arith.addi %add3A_480, %add3A_476 : i32
        %get3A_482 = arith.index_cast %add3A_481 : i32 to index
        %get3A_483 = tpu.vector_load %arg6[%get3A_482] {strides = array<i32>} : memref<24576xf32, #tpu.memory_space<vmem>>, vector<16xf32>,
        %mul3A_484 = arith.mulf %mul3A_118, %get3A_483 : vector<16xf32>
        %add3A_485 = arith.addf %mul3A_479, %mul3A_484 : vector<16xf32>
        %add3A_486 = arith.constant 16384 : i32
        %add3A_487 = arith.addi %add3A_486, %add3A_476 : i32
        %get3A_488 = arith.index_cast %add3A_487 : i32 to index
        %get3A_489 = tpu.vector_load %arg6[%get3A_488] {strides = array<i32>} : memref<24576xf32, #tpu.memory_space<vmem>>, vector<16xf32>,
        %mul3A_490 = arith.mulf %mul3A_121, %get3A_489 : vector<16xf32>
        %add3A_491 = arith.addf %add3A_485, %mul3A_490 : vector<16xf32>
        %add3A_492 = arith.addf %add3A_491, %add3A_69 : vector<16xf32>
        %get3A_493 = arith.index_cast %add3A_476 : i32 to index
        %get3A_494 = tpu.vector_load %arg7[%get3A_493] {strides = array<i32>} : memref<8192xf32, #tpu.memory_space<vmem>>, vector<16xf32>,
        %add3A_495 = arith.addf %add3A_492, %get3A_494 : vector<16xf32>
        %le3A_496 = arith.constant 4.000000e-02 : f32
        %le3A_497 = vector.broadcast %le3A_496 : f32 to vector<16xf32>
        %le3A_498 = arith.cmpf ole, %add3A_495, %le3A_497 : vector<16xf32>
        %all_reduce_population_count3A_499 = tpu.all_reduce %le3A_498 {dim = 0 : i64, kind = #tpu.reduction_kind<sum>} : vector<16xi1> -> vector<16xi32>
        %slice3A_500 = vector.extract_strided_slice %all_reduce_population_count3A_499 {offsets = [0], sizes = [1], strides = [1]} : vector<16xi32> to vector<1xi32>
        %squeeze3A_501 = vector.extract %slice3A_500[0] : i32 from vector<1xi32>
        %mul3A_502 = arith.constant 256 : i32
        %mul3A_503 = arith.muli %while3A_156, %mul3A_502 : i32
        %add3A_504 = arith.constant 192 : i32
        %add3A_505 = arith.addi %mul3A_503, %add3A_504 : i32
        %get3A_506 = arith.index_cast %add3A_505 : i32 to index
        %get3A_507 = tpu.vector_load %arg6[%get3A_506] {strides = array<i32>} : memref<24576xf32, #tpu.memory_space<vmem>>, vector<16xf32>,
        %mul3A_508 = arith.mulf %mul3A_115, %get3A_507 : vector<16xf32>
        %add3A_509 = arith.constant 8192 : i32
        %add3A_510 = arith.addi %add3A_509, %add3A_505 : i32
        %get3A_511 = arith.index_cast %add3A_510 : i32 to index
        %get3A_512 = tpu.vector_load %arg6[%get3A_511] {strides = array<i32>} : memref<24576xf32, #tpu.memory_space<vmem>>, vector<16xf32>,
        %mul3A_513 = arith.mulf %mul3A_118, %get3A_512 : vector<16xf32>
        %add3A_514 = arith.addf %mul3A_508, %mul3A_513 : vector<16xf32>
        %add3A_515 = arith.constant 16384 : i32
        %add3A_516 = arith.addi %add3A_515, %add3A_505 : i32
        %get3A_517 = arith.index_cast %add3A_516 : i32 to index
        %get3A_518 = tpu.vector_load %arg6[%get3A_517] {strides = array<i32>} : memref<24576xf32, #tpu.memory_space<vmem>>, vector<16xf32>,
        %mul3A_519 = arith.mulf %mul3A_121, %get3A_518 : vector<16xf32>
        %add3A_520 = arith.addf %add3A_514, %mul3A_519 : vector<16xf32>
        %add3A_521 = arith.addf %add3A_520, %add3A_69 : vector<16xf32>
        %get3A_522 = arith.index_cast %add3A_505 : i32 to index
        %get3A_523 = tpu.vector_load %arg7[%get3A_522] {strides = array<i32>} : memref<8192xf32, #tpu.memory_space<vmem>>, vector<16xf32>,
        %add3A_524 = arith.addf %add3A_521, %get3A_523 : vector<16xf32>
        %le3A_525 = arith.constant 4.000000e-02 : f32
        %le3A_526 = vector.broadcast %le3A_525 : f32 to vector<16xf32>
        %le3A_527 = arith.cmpf ole, %add3A_524, %le3A_526 : vector<16xf32>
        %all_reduce_population_count3A_528 = tpu.all_reduce %le3A_527 {dim = 0 : i64, kind = #tpu.reduction_kind<sum>} : vector<16xi1> -> vector<16xi32>
        %slice3A_529 = vector.extract_strided_slice %all_reduce_population_count3A_528 {offsets = [0], sizes = [1], strides = [1]} : vector<16xi32> to vector<1xi32>
        %squeeze3A_530 = vector.extract %slice3A_529[0] : i32 from vector<1xi32>
        %mul3A_531 = arith.constant 256 : i32
        %mul3A_532 = arith.muli %while3A_156, %mul3A_531 : i32
        %add3A_533 = arith.constant 208 : i32
        %add3A_534 = arith.addi %mul3A_532, %add3A_533 : i32
        %get3A_535 = arith.index_cast %add3A_534 : i32 to index
        %get3A_536 = tpu.vector_load %arg6[%get3A_535] {strides = array<i32>} : memref<24576xf32, #tpu.memory_space<vmem>>, vector<16xf32>,
        %mul3A_537 = arith.mulf %mul3A_115, %get3A_536 : vector<16xf32>
        %add3A_538 = arith.constant 8192 : i32
        %add3A_539 = arith.addi %add3A_538, %add3A_534 : i32
        %get3A_540 = arith.index_cast %add3A_539 : i32 to index
        %get3A_541 = tpu.vector_load %arg6[%get3A_540] {strides = array<i32>} : memref<24576xf32, #tpu.memory_space<vmem>>, vector<16xf32>,
        %mul3A_542 = arith.mulf %mul3A_118, %get3A_541 : vector<16xf32>
        %add3A_543 = arith.addf %mul3A_537, %mul3A_542 : vector<16xf32>
        %add3A_544 = arith.constant 16384 : i32
        %add3A_545 = arith.addi %add3A_544, %add3A_534 : i32
        %get3A_546 = arith.index_cast %add3A_545 : i32 to index
        %get3A_547 = tpu.vector_load %arg6[%get3A_546] {strides = array<i32>} : memref<24576xf32, #tpu.memory_space<vmem>>, vector<16xf32>,
        %mul3A_548 = arith.mulf %mul3A_121, %get3A_547 : vector<16xf32>
        %add3A_549 = arith.addf %add3A_543, %mul3A_548 : vector<16xf32>
        %add3A_550 = arith.addf %add3A_549, %add3A_69 : vector<16xf32>
        %get3A_551 = arith.index_cast %add3A_534 : i32 to index
        %get3A_552 = tpu.vector_load %arg7[%get3A_551] {strides = array<i32>} : memref<8192xf32, #tpu.memory_space<vmem>>, vector<16xf32>,
        %add3A_553 = arith.addf %add3A_550, %get3A_552 : vector<16xf32>
        %le3A_554 = arith.constant 4.000000e-02 : f32
        %le3A_555 = vector.broadcast %le3A_554 : f32 to vector<16xf32>
        %le3A_556 = arith.cmpf ole, %add3A_553, %le3A_555 : vector<16xf32>
        %all_reduce_population_count3A_557 = tpu.all_reduce %le3A_556 {dim = 0 : i64, kind = #tpu.reduction_kind<sum>} : vector<16xi1> -> vector<16xi32>
        %slice3A_558 = vector.extract_strided_slice %all_reduce_population_count3A_557 {offsets = [0], sizes = [1], strides = [1]} : vector<16xi32> to vector<1xi32>
        %squeeze3A_559 = vector.extract %slice3A_558[0] : i32 from vector<1xi32>
        %mul3A_560 = arith.constant 256 : i32
        %mul3A_561 = arith.muli %while3A_156, %mul3A_560 : i32
        %add3A_562 = arith.constant 224 : i32
        %add3A_563 = arith.addi %mul3A_561, %add3A_562 : i32
        %get3A_564 = arith.index_cast %add3A_563 : i32 to index
        %get3A_565 = tpu.vector_load %arg6[%get3A_564] {strides = array<i32>} : memref<24576xf32, #tpu.memory_space<vmem>>, vector<16xf32>,
        %mul3A_566 = arith.mulf %mul3A_115, %get3A_565 : vector<16xf32>
        %add3A_567 = arith.constant 8192 : i32
        %add3A_568 = arith.addi %add3A_567, %add3A_563 : i32
        %get3A_569 = arith.index_cast %add3A_568 : i32 to index
        %get3A_570 = tpu.vector_load %arg6[%get3A_569] {strides = array<i32>} : memref<24576xf32, #tpu.memory_space<vmem>>, vector<16xf32>,
        %mul3A_571 = arith.mulf %mul3A_118, %get3A_570 : vector<16xf32>
        %add3A_572 = arith.addf %mul3A_566, %mul3A_571 : vector<16xf32>
        %add3A_573 = arith.constant 16384 : i32
        %add3A_574 = arith.addi %add3A_573, %add3A_563 : i32
        %get3A_575 = arith.index_cast %add3A_574 : i32 to index
        %get3A_576 = tpu.vector_load %arg6[%get3A_575] {strides = array<i32>} : memref<24576xf32, #tpu.memory_space<vmem>>, vector<16xf32>,
        %mul3A_577 = arith.mulf %mul3A_121, %get3A_576 : vector<16xf32>
        %add3A_578 = arith.addf %add3A_572, %mul3A_577 : vector<16xf32>
        %add3A_579 = arith.addf %add3A_578, %add3A_69 : vector<16xf32>
        %get3A_580 = arith.index_cast %add3A_563 : i32 to index
        %get3A_581 = tpu.vector_load %arg7[%get3A_580] {strides = array<i32>} : memref<8192xf32, #tpu.memory_space<vmem>>, vector<16xf32>,
        %add3A_582 = arith.addf %add3A_579, %get3A_581 : vector<16xf32>
        %le3A_583 = arith.constant 4.000000e-02 : f32
        %le3A_584 = vector.broadcast %le3A_583 : f32 to vector<16xf32>
        %le3A_585 = arith.cmpf ole, %add3A_582, %le3A_584 : vector<16xf32>
        %all_reduce_population_count3A_586 = tpu.all_reduce %le3A_585 {dim = 0 : i64, kind = #tpu.reduction_kind<sum>} : vector<16xi1> -> vector<16xi32>
        %slice3A_587 = vector.extract_strided_slice %all_reduce_population_count3A_586 {offsets = [0], sizes = [1], strides = [1]} : vector<16xi32> to vector<1xi32>
        %squeeze3A_588 = vector.extract %slice3A_587[0] : i32 from vector<1xi32>
        %mul3A_589 = arith.constant 256 : i32
        %mul3A_590 = arith.muli %while3A_156, %mul3A_589 : i32
        %add3A_591 = arith.constant 240 : i32
        %add3A_592 = arith.addi %mul3A_590, %add3A_591 : i32
        %get3A_593 = arith.index_cast %add3A_592 : i32 to index
        %get3A_594 = tpu.vector_load %arg6[%get3A_593] {strides = array<i32>} : memref<24576xf32, #tpu.memory_space<vmem>>, vector<16xf32>,
        %mul3A_595 = arith.mulf %mul3A_115, %get3A_594 : vector<16xf32>
        %add3A_596 = arith.constant 8192 : i32
        %add3A_597 = arith.addi %add3A_596, %add3A_592 : i32
        %get3A_598 = arith.index_cast %add3A_597 : i32 to index
        %get3A_599 = tpu.vector_load %arg6[%get3A_598] {strides = array<i32>} : memref<24576xf32, #tpu.memory_space<vmem>>, vector<16xf32>,
        %mul3A_600 = arith.mulf %mul3A_118, %get3A_599 : vector<16xf32>
        %add3A_601 = arith.addf %mul3A_595, %mul3A_600 : vector<16xf32>
        %add3A_602 = arith.constant 16384 : i32
        %add3A_603 = arith.addi %add3A_602, %add3A_592 : i32
        %get3A_604 = arith.index_cast %add3A_603 : i32 to index
        %get3A_605 = tpu.vector_load %arg6[%get3A_604] {strides = array<i32>} : memref<24576xf32, #tpu.memory_space<vmem>>, vector<16xf32>,
        %mul3A_606 = arith.mulf %mul3A_121, %get3A_605 : vector<16xf32>
        %add3A_607 = arith.addf %add3A_601, %mul3A_606 : vector<16xf32>
        %add3A_608 = arith.addf %add3A_607, %add3A_69 : vector<16xf32>
        %get3A_609 = arith.index_cast %add3A_592 : i32 to index
        %get3A_610 = tpu.vector_load %arg7[%get3A_609] {strides = array<i32>} : memref<8192xf32, #tpu.memory_space<vmem>>, vector<16xf32>,
        %add3A_611 = arith.addf %add3A_608, %get3A_610 : vector<16xf32>
        %le3A_612 = arith.constant 4.000000e-02 : f32
        %le3A_613 = vector.broadcast %le3A_612 : f32 to vector<16xf32>
        %le3A_614 = arith.cmpf ole, %add3A_611, %le3A_613 : vector<16xf32>
        %all_reduce_population_count3A_615 = tpu.all_reduce %le3A_614 {dim = 0 : i64, kind = #tpu.reduction_kind<sum>} : vector<16xi1> -> vector<16xi32>
        %slice3A_616 = vector.extract_strided_slice %all_reduce_population_count3A_615 {offsets = [0], sizes = [1], strides = [1]} : vector<16xi32> to vector<1xi32>
        %squeeze3A_617 = vector.extract %slice3A_616[0] : i32 from vector<1xi32>
        %mul3A_618 = arith.constant 256 : i32
        %mul3A_619 = arith.muli %while3A_156, %mul3A_618 : i32
        %add3A_620 = arith.constant 0 : i32
        %add3A_621 = arith.addi %mul3A_619, %add3A_620 : i32
        %add3A_622 = arith.addi %mul3A_125, %while3A_157 : i32
        %mul3A_623 = arith.constant 8192 : i32
        %mul3A_624 = arith.muli %select_n3A, %mul3A_623 : i32
        %add3A_625 = arith.addi %mul3A_624, %add3A_621 : i32
        %add3A_626 = vector.broadcast %add3A_625 : i32 to vector<16xi32>
        %add3A_627 = arith.addi %add3A_626, %iota3A : vector<16xi32>
        %swap3A_628 = arith.index_cast %add3A_622 : i32 to index
        %swap3A_629 = tpu.vector_load %arg8[%swap3A_628] masked %le3A_182 {strides = array<i32>} : memref<40960xi32, #tpu.memory_space<vmem>>, vector<16xi32>, vector<16xi1>
        tpu.vector_store %arg8[%swap3A_628], %add3A_627 masked %le3A_182 {strides = array<i32>} : memref<40960xi32, #tpu.memory_space<vmem>>, vector<16xi32>, vector<16xi1>
        %add3A_630 = arith.addi %while3A_157, %squeeze3A : i32
        %mul3A_631 = arith.constant 256 : i32
        %mul3A_632 = arith.muli %while3A_156, %mul3A_631 : i32
        %add3A_633 = arith.constant 16 : i32
        %add3A_634 = arith.addi %mul3A_632, %add3A_633 : i32
        %add3A_635 = arith.addi %mul3A_125, %add3A_630 : i32
        %mul3A_636 = arith.constant 8192 : i32
        %mul3A_637 = arith.muli %select_n3A, %mul3A_636 : i32
        %add3A_638 = arith.addi %mul3A_637, %add3A_634 : i32
        %add3A_639 = vector.broadcast %add3A_638 : i32 to vector<16xi32>
        %add3A_640 = arith.addi %add3A_639, %iota3A : vector<16xi32>
        %swap3A_641 = arith.index_cast %add3A_635 : i32 to index
        %swap3A_642 = tpu.vector_load %arg8[%swap3A_641] masked %le3A_208 {strides = array<i32>} : memref<40960xi32, #tpu.memory_space<vmem>>, vector<16xi32>, vector<16xi1>
        tpu.vector_store %arg8[%swap3A_641], %add3A_640 masked %le3A_208 {strides = array<i32>} : memref<40960xi32, #tpu.memory_space<vmem>>, vector<16xi32>, vector<16xi1>
        %add3A_643 = arith.addi %add3A_630, %squeeze3A_211 : i32
        %mul3A_644 = arith.constant 256 : i32
        %mul3A_645 = arith.muli %while3A_156, %mul3A_644 : i32
        %add3A_646 = arith.constant 32 : i32
        %add3A_647 = arith.addi %mul3A_645, %add3A_646 : i32
        %add3A_648 = arith.addi %mul3A_125, %add3A_643 : i32
        %mul3A_649 = arith.constant 8192 : i32
        %mul3A_650 = arith.muli %select_n3A, %mul3A_649 : i32
        %add3A_651 = arith.addi %mul3A_650, %add3A_647 : i32
        %add3A_652 = vector.broadcast %add3A_651 : i32 to vector<16xi32>
        %add3A_653 = arith.addi %add3A_652, %iota3A : vector<16xi32>
        %swap3A_654 = arith.index_cast %add3A_648 : i32 to index
        %swap3A_655 = tpu.vector_load %arg8[%swap3A_654] masked %le3A_237 {strides = array<i32>} : memref<40960xi32, #tpu.memory_space<vmem>>, vector<16xi32>, vector<16xi1>
        tpu.vector_store %arg8[%swap3A_654], %add3A_653 masked %le3A_237 {strides = array<i32>} : memref<40960xi32, #tpu.memory_space<vmem>>, vector<16xi32>, vector<16xi1>
        %add3A_656 = arith.addi %add3A_643, %squeeze3A_240 : i32
        %mul3A_657 = arith.constant 256 : i32
        %mul3A_658 = arith.muli %while3A_156, %mul3A_657 : i32
        %add3A_659 = arith.constant 48 : i32
        %add3A_660 = arith.addi %mul3A_658, %add3A_659 : i32
        %add3A_661 = arith.addi %mul3A_125, %add3A_656 : i32
        %mul3A_662 = arith.constant 8192 : i32
        %mul3A_663 = arith.muli %select_n3A, %mul3A_662 : i32
        %add3A_664 = arith.addi %mul3A_663, %add3A_660 : i32
        %add3A_665 = vector.broadcast %add3A_664 : i32 to vector<16xi32>
        %add3A_666 = arith.addi %add3A_665, %iota3A : vector<16xi32>
        %swap3A_667 = arith.index_cast %add3A_661 : i32 to index
        %swap3A_668 = tpu.vector_load %arg8[%swap3A_667] masked %le3A_266 {strides = array<i32>} : memref<40960xi32, #tpu.memory_space<vmem>>, vector<16xi32>, vector<16xi1>
        tpu.vector_store %arg8[%swap3A_667], %add3A_666 masked %le3A_266 {strides = array<i32>} : memref<40960xi32, #tpu.memory_space<vmem>>, vector<16xi32>, vector<16xi1>
        %add3A_669 = arith.addi %add3A_656, %squeeze3A_269 : i32
        %mul3A_670 = arith.constant 256 : i32
        %mul3A_671 = arith.muli %while3A_156, %mul3A_670 : i32
        %add3A_672 = arith.constant 64 : i32
        %add3A_673 = arith.addi %mul3A_671, %add3A_672 : i32
        %add3A_674 = arith.addi %mul3A_125, %add3A_669 : i32
        %mul3A_675 = arith.constant 8192 : i32
        %mul3A_676 = arith.muli %select_n3A, %mul3A_675 : i32
        %add3A_677 = arith.addi %mul3A_676, %add3A_673 : i32
        %add3A_678 = vector.broadcast %add3A_677 : i32 to vector<16xi32>
        %add3A_679 = arith.addi %add3A_678, %iota3A : vector<16xi32>
        %swap3A_680 = arith.index_cast %add3A_674 : i32 to index
        %swap3A_681 = tpu.vector_load %arg8[%swap3A_680] masked %le3A_295 {strides = array<i32>} : memref<40960xi32, #tpu.memory_space<vmem>>, vector<16xi32>, vector<16xi1>
        tpu.vector_store %arg8[%swap3A_680], %add3A_679 masked %le3A_295 {strides = array<i32>} : memref<40960xi32, #tpu.memory_space<vmem>>, vector<16xi32>, vector<16xi1>
        %add3A_682 = arith.addi %add3A_669, %squeeze3A_298 : i32
        %mul3A_683 = arith.constant 256 : i32
        %mul3A_684 = arith.muli %while3A_156, %mul3A_683 : i32
        %add3A_685 = arith.constant 80 : i32
        %add3A_686 = arith.addi %mul3A_684, %add3A_685 : i32
        %add3A_687 = arith.addi %mul3A_125, %add3A_682 : i32
        %mul3A_688 = arith.constant 8192 : i32
        %mul3A_689 = arith.muli %select_n3A, %mul3A_688 : i32
        %add3A_690 = arith.addi %mul3A_689, %add3A_686 : i32
        %add3A_691 = vector.broadcast %add3A_690 : i32 to vector<16xi32>
        %add3A_692 = arith.addi %add3A_691, %iota3A : vector<16xi32>
        %swap3A_693 = arith.index_cast %add3A_687 : i32 to index
        %swap3A_694 = tpu.vector_load %arg8[%swap3A_693] masked %le3A_324 {strides = array<i32>} : memref<40960xi32, #tpu.memory_space<vmem>>, vector<16xi32>, vector<16xi1>
        tpu.vector_store %arg8[%swap3A_693], %add3A_692 masked %le3A_324 {strides = array<i32>} : memref<40960xi32, #tpu.memory_space<vmem>>, vector<16xi32>, vector<16xi1>
        %add3A_695 = arith.addi %add3A_682, %squeeze3A_327 : i32
        %mul3A_696 = arith.constant 256 : i32
        %mul3A_697 = arith.muli %while3A_156, %mul3A_696 : i32
        %add3A_698 = arith.constant 96 : i32
        %add3A_699 = arith.addi %mul3A_697, %add3A_698 : i32
        %add3A_700 = arith.addi %mul3A_125, %add3A_695 : i32
        %mul3A_701 = arith.constant 8192 : i32
        %mul3A_702 = arith.muli %select_n3A, %mul3A_701 : i32
        %add3A_703 = arith.addi %mul3A_702, %add3A_699 : i32
        %add3A_704 = vector.broadcast %add3A_703 : i32 to vector<16xi32>
        %add3A_705 = arith.addi %add3A_704, %iota3A : vector<16xi32>
        %swap3A_706 = arith.index_cast %add3A_700 : i32 to index
        %swap3A_707 = tpu.vector_load %arg8[%swap3A_706] masked %le3A_353 {strides = array<i32>} : memref<40960xi32, #tpu.memory_space<vmem>>, vector<16xi32>, vector<16xi1>
        tpu.vector_store %arg8[%swap3A_706], %add3A_705 masked %le3A_353 {strides = array<i32>} : memref<40960xi32, #tpu.memory_space<vmem>>, vector<16xi32>, vector<16xi1>
        %add3A_708 = arith.addi %add3A_695, %squeeze3A_356 : i32
        %mul3A_709 = arith.constant 256 : i32
        %mul3A_710 = arith.muli %while3A_156, %mul3A_709 : i32
        %add3A_711 = arith.constant 112 : i32
        %add3A_712 = arith.addi %mul3A_710, %add3A_711 : i32
        %add3A_713 = arith.addi %mul3A_125, %add3A_708 : i32
        %mul3A_714 = arith.constant 8192 : i32
        %mul3A_715 = arith.muli %select_n3A, %mul3A_714 : i32
        %add3A_716 = arith.addi %mul3A_715, %add3A_712 : i32
        %add3A_717 = vector.broadcast %add3A_716 : i32 to vector<16xi32>
        %add3A_718 = arith.addi %add3A_717, %iota3A : vector<16xi32>
        %swap3A_719 = arith.index_cast %add3A_713 : i32 to index
        %swap3A_720 = tpu.vector_load %arg8[%swap3A_719] masked %le3A_382 {strides = array<i32>} : memref<40960xi32, #tpu.memory_space<vmem>>, vector<16xi32>, vector<16xi1>
        tpu.vector_store %arg8[%swap3A_719], %add3A_718 masked %le3A_382 {strides = array<i32>} : memref<40960xi32, #tpu.memory_space<vmem>>, vector<16xi32>, vector<16xi1>
        %add3A_721 = arith.addi %add3A_708, %squeeze3A_385 : i32
        %mul3A_722 = arith.constant 256 : i32
        %mul3A_723 = arith.muli %while3A_156, %mul3A_722 : i32
        %add3A_724 = arith.constant 128 : i32
        %add3A_725 = arith.addi %mul3A_723, %add3A_724 : i32
        %add3A_726 = arith.addi %mul3A_125, %add3A_721 : i32
        %mul3A_727 = arith.constant 8192 : i32
        %mul3A_728 = arith.muli %select_n3A, %mul3A_727 : i32
        %add3A_729 = arith.addi %mul3A_728, %add3A_725 : i32
        %add3A_730 = vector.broadcast %add3A_729 : i32 to vector<16xi32>
        %add3A_731 = arith.addi %add3A_730, %iota3A : vector<16xi32>
        %swap3A_732 = arith.index_cast %add3A_726 : i32 to index
        %swap3A_733 = tpu.vector_load %arg8[%swap3A_732] masked %le3A_411 {strides = array<i32>} : memref<40960xi32, #tpu.memory_space<vmem>>, vector<16xi32>, vector<16xi1>
        tpu.vector_store %arg8[%swap3A_732], %add3A_731 masked %le3A_411 {strides = array<i32>} : memref<40960xi32, #tpu.memory_space<vmem>>, vector<16xi32>, vector<16xi1>
        %add3A_734 = arith.addi %add3A_721, %squeeze3A_414 : i32
        %mul3A_735 = arith.constant 256 : i32
        %mul3A_736 = arith.muli %while3A_156, %mul3A_735 : i32
        %add3A_737 = arith.constant 144 : i32
        %add3A_738 = arith.addi %mul3A_736, %add3A_737 : i32
        %add3A_739 = arith.addi %mul3A_125, %add3A_734 : i32
        %mul3A_740 = arith.constant 8192 : i32
        %mul3A_741 = arith.muli %select_n3A, %mul3A_740 : i32
        %add3A_742 = arith.addi %mul3A_741, %add3A_738 : i32
        %add3A_743 = vector.broadcast %add3A_742 : i32 to vector<16xi32>
        %add3A_744 = arith.addi %add3A_743, %iota3A : vector<16xi32>
        %swap3A_745 = arith.index_cast %add3A_739 : i32 to index
        %swap3A_746 = tpu.vector_load %arg8[%swap3A_745] masked %le3A_440 {strides = array<i32>} : memref<40960xi32, #tpu.memory_space<vmem>>, vector<16xi32>, vector<16xi1>
        tpu.vector_store %arg8[%swap3A_745], %add3A_744 masked %le3A_440 {strides = array<i32>} : memref<40960xi32, #tpu.memory_space<vmem>>, vector<16xi32>, vector<16xi1>
        %add3A_747 = arith.addi %add3A_734, %squeeze3A_443 : i32
        %mul3A_748 = arith.constant 256 : i32
        %mul3A_749 = arith.muli %while3A_156, %mul3A_748 : i32
        %add3A_750 = arith.constant 160 : i32
        %add3A_751 = arith.addi %mul3A_749, %add3A_750 : i32
        %add3A_752 = arith.addi %mul3A_125, %add3A_747 : i32
        %mul3A_753 = arith.constant 8192 : i32
        %mul3A_754 = arith.muli %select_n3A, %mul3A_753 : i32
        %add3A_755 = arith.addi %mul3A_754, %add3A_751 : i32
        %add3A_756 = vector.broadcast %add3A_755 : i32 to vector<16xi32>
        %add3A_757 = arith.addi %add3A_756, %iota3A : vector<16xi32>
        %swap3A_758 = arith.index_cast %add3A_752 : i32 to index
        %swap3A_759 = tpu.vector_load %arg8[%swap3A_758] masked %le3A_469 {strides = array<i32>} : memref<40960xi32, #tpu.memory_space<vmem>>, vector<16xi32>, vector<16xi1>
        tpu.vector_store %arg8[%swap3A_758], %add3A_757 masked %le3A_469 {strides = array<i32>} : memref<40960xi32, #tpu.memory_space<vmem>>, vector<16xi32>, vector<16xi1>
        %add3A_760 = arith.addi %add3A_747, %squeeze3A_472 : i32
        %mul3A_761 = arith.constant 256 : i32
        %mul3A_762 = arith.muli %while3A_156, %mul3A_761 : i32
        %add3A_763 = arith.constant 176 : i32
        %add3A_764 = arith.addi %mul3A_762, %add3A_763 : i32
        %add3A_765 = arith.addi %mul3A_125, %add3A_760 : i32
        %mul3A_766 = arith.constant 8192 : i32
        %mul3A_767 = arith.muli %select_n3A, %mul3A_766 : i32
        %add3A_768 = arith.addi %mul3A_767, %add3A_764 : i32
        %add3A_769 = vector.broadcast %add3A_768 : i32 to vector<16xi32>
        %add3A_770 = arith.addi %add3A_769, %iota3A : vector<16xi32>
        %swap3A_771 = arith.index_cast %add3A_765 : i32 to index
        %swap3A_772 = tpu.vector_load %arg8[%swap3A_771] masked %le3A_498 {strides = array<i32>} : memref<40960xi32, #tpu.memory_space<vmem>>, vector<16xi32>, vector<16xi1>
        tpu.vector_store %arg8[%swap3A_771], %add3A_770 masked %le3A_498 {strides = array<i32>} : memref<40960xi32, #tpu.memory_space<vmem>>, vector<16xi32>, vector<16xi1>
        %add3A_773 = arith.addi %add3A_760, %squeeze3A_501 : i32
        %mul3A_774 = arith.constant 256 : i32
        %mul3A_775 = arith.muli %while3A_156, %mul3A_774 : i32
        %add3A_776 = arith.constant 192 : i32
        %add3A_777 = arith.addi %mul3A_775, %add3A_776 : i32
        %add3A_778 = arith.addi %mul3A_125, %add3A_773 : i32
        %mul3A_779 = arith.constant 8192 : i32
        %mul3A_780 = arith.muli %select_n3A, %mul3A_779 : i32
        %add3A_781 = arith.addi %mul3A_780, %add3A_777 : i32
        %add3A_782 = vector.broadcast %add3A_781 : i32 to vector<16xi32>
        %add3A_783 = arith.addi %add3A_782, %iota3A : vector<16xi32>
        %swap3A_784 = arith.index_cast %add3A_778 : i32 to index
        %swap3A_785 = tpu.vector_load %arg8[%swap3A_784] masked %le3A_527 {strides = array<i32>} : memref<40960xi32, #tpu.memory_space<vmem>>, vector<16xi32>, vector<16xi1>
        tpu.vector_store %arg8[%swap3A_784], %add3A_783 masked %le3A_527 {strides = array<i32>} : memref<40960xi32, #tpu.memory_space<vmem>>, vector<16xi32>, vector<16xi1>
        %add3A_786 = arith.addi %add3A_773, %squeeze3A_530 : i32
        %mul3A_787 = arith.constant 256 : i32
        %mul3A_788 = arith.muli %while3A_156, %mul3A_787 : i32
        %add3A_789 = arith.constant 208 : i32
        %add3A_790 = arith.addi %mul3A_788, %add3A_789 : i32
        %add3A_791 = arith.addi %mul3A_125, %add3A_786 : i32
        %mul3A_792 = arith.constant 8192 : i32
        %mul3A_793 = arith.muli %select_n3A, %mul3A_792 : i32
        %add3A_794 = arith.addi %mul3A_793, %add3A_790 : i32
        %add3A_795 = vector.broadcast %add3A_794 : i32 to vector<16xi32>
        %add3A_796 = arith.addi %add3A_795, %iota3A : vector<16xi32>
        %swap3A_797 = arith.index_cast %add3A_791 : i32 to index
        %swap3A_798 = tpu.vector_load %arg8[%swap3A_797] masked %le3A_556 {strides = array<i32>} : memref<40960xi32, #tpu.memory_space<vmem>>, vector<16xi32>, vector<16xi1>
        tpu.vector_store %arg8[%swap3A_797], %add3A_796 masked %le3A_556 {strides = array<i32>} : memref<40960xi32, #tpu.memory_space<vmem>>, vector<16xi32>, vector<16xi1>
        %add3A_799 = arith.addi %add3A_786, %squeeze3A_559 : i32
        %mul3A_800 = arith.constant 256 : i32
        %mul3A_801 = arith.muli %while3A_156, %mul3A_800 : i32
        %add3A_802 = arith.constant 224 : i32
        %add3A_803 = arith.addi %mul3A_801, %add3A_802 : i32
        %add3A_804 = arith.addi %mul3A_125, %add3A_799 : i32
        %mul3A_805 = arith.constant 8192 : i32
        %mul3A_806 = arith.muli %select_n3A, %mul3A_805 : i32
        %add3A_807 = arith.addi %mul3A_806, %add3A_803 : i32
        %add3A_808 = vector.broadcast %add3A_807 : i32 to vector<16xi32>
        %add3A_809 = arith.addi %add3A_808, %iota3A : vector<16xi32>
        %swap3A_810 = arith.index_cast %add3A_804 : i32 to index
        %swap3A_811 = tpu.vector_load %arg8[%swap3A_810] masked %le3A_585 {strides = array<i32>} : memref<40960xi32, #tpu.memory_space<vmem>>, vector<16xi32>, vector<16xi1>
        tpu.vector_store %arg8[%swap3A_810], %add3A_809 masked %le3A_585 {strides = array<i32>} : memref<40960xi32, #tpu.memory_space<vmem>>, vector<16xi32>, vector<16xi1>
        %add3A_812 = arith.addi %add3A_799, %squeeze3A_588 : i32
        %mul3A_813 = arith.constant 256 : i32
        %mul3A_814 = arith.muli %while3A_156, %mul3A_813 : i32
        %add3A_815 = arith.constant 240 : i32
        %add3A_816 = arith.addi %mul3A_814, %add3A_815 : i32
        %add3A_817 = arith.addi %mul3A_125, %add3A_812 : i32
        %mul3A_818 = arith.constant 8192 : i32
        %mul3A_819 = arith.muli %select_n3A, %mul3A_818 : i32
        %add3A_820 = arith.addi %mul3A_819, %add3A_816 : i32
        %add3A_821 = vector.broadcast %add3A_820 : i32 to vector<16xi32>
        %add3A_822 = arith.addi %add3A_821, %iota3A : vector<16xi32>
        %swap3A_823 = arith.index_cast %add3A_817 : i32 to index
        %swap3A_824 = tpu.vector_load %arg8[%swap3A_823] masked %le3A_614 {strides = array<i32>} : memref<40960xi32, #tpu.memory_space<vmem>>, vector<16xi32>, vector<16xi1>
        tpu.vector_store %arg8[%swap3A_823], %add3A_822 masked %le3A_614 {strides = array<i32>} : memref<40960xi32, #tpu.memory_space<vmem>>, vector<16xi32>, vector<16xi1>
        %add3A_825 = arith.addi %add3A_812, %squeeze3A_617 : i32
        %add3A_826 = arith.constant 1 : i32
        %add3A_827 = arith.addi %while3A_156, %add3A_826 : i32
        scf.yield %add3A_827, %add3A_825 : i32, i32
      }
      %broadcast_in_dim3A_128 = vector.broadcast %mul3A_125 : i32 to vector<16xi32>
      %gather3A_129 = tpu.vector_load_idx %arg8[%broadcast_in_dim3A_128] : memref<40960xi32, #tpu.memory_space<vmem>>[vector<16xi32>], vector<16xi32>,
      %add3A_130 = arith.constant 0 : i32
      %add3A_131 = vector.broadcast %add3A_130 : i32 to vector<16xi32>
      %add3A_132 = arith.addi %iota3A, %add3A_131 : vector<16xi32>
      %add3A_133 = arith.constant 0 : i32
      %add3A_134 = arith.addi %mul3A_125, %add3A_133 : i32
      %get3A = arith.index_cast %add3A_134 : i32 to index
      %get3A_135 = tpu.vector_load %arg8[%get3A] {strides = array<i32>} : memref<40960xi32, #tpu.memory_space<vmem>>, vector<16xi32>,
      %lt3A_136 = vector.broadcast %while3A_127#1 : i32 to vector<16xi32>
      %lt3A_137 = arith.cmpi slt, %add3A_132, %lt3A_136 : vector<16xi32>
      %select_n3A_138 = arith.select %lt3A_137, %get3A_135, %gather3A_129 : vector<16xi1>, vector<16xi32>
      %add3A_139 = arith.constant 0 : i32
      %add3A_140 = arith.addi %mul3A_123, %add3A_139 : i32
      %swap3A = arith.index_cast %add3A_140 : i32 to index
      %swap3A_141 = tpu.vector_load %arg9[%swap3A] {strides = array<i32>} : memref<4096xi32, #tpu.memory_space<vmem>>, vector<16xi32>,
      tpu.vector_store %arg9[%swap3A], %select_n3A_138 {strides = array<i32>} : memref<4096xi32, #tpu.memory_space<vmem>>, vector<16xi32>,
      %add3A_142 = arith.constant 16 : i32
      %add3A_143 = vector.broadcast %add3A_142 : i32 to vector<16xi32>
      %add3A_144 = arith.addi %iota3A, %add3A_143 : vector<16xi32>
      %add3A_145 = arith.constant 16 : i32
      %add3A_146 = arith.addi %mul3A_125, %add3A_145 : i32
      %get3A_147 = arith.index_cast %add3A_146 : i32 to index
      %get3A_148 = tpu.vector_load %arg8[%get3A_147] {strides = array<i32>} : memref<40960xi32, #tpu.memory_space<vmem>>, vector<16xi32>,
      %lt3A_149 = vector.broadcast %while3A_127#1 : i32 to vector<16xi32>
      %lt3A_150 = arith.cmpi slt, %add3A_144, %lt3A_149 : vector<16xi32>
      %select_n3A_151 = arith.select %lt3A_150, %get3A_148, %gather3A_129 : vector<16xi1>, vector<16xi32>
      %add3A_152 = arith.constant 16 : i32
      %add3A_153 = arith.addi %mul3A_123, %add3A_152 : i32
      %swap3A_154 = arith.index_cast %add3A_153 : i32 to index
      %swap3A_155 = tpu.vector_load %arg9[%swap3A_154] {strides = array<i32>} : memref<4096xi32, #tpu.memory_space<vmem>>, vector<16xi32>,
      tpu.vector_store %arg9[%swap3A_154], %select_n3A_151 {strides = array<i32>} : memref<4096xi32, #tpu.memory_space<vmem>>, vector<16xi32>,
    }
    %scan3A_43 = arith.constant 128 : i32
    %mul3A_44 = arith.constant 1024 : i32
    %mul3A_45 = arith.muli %select_n3A, %mul3A_44 : i32
    %add3A_46 = arith.addi %mul3A_45, %mul3A_32 : i32
    %mul3A_47 = arith.constant 32 : i32
    %mul3A_48 = arith.muli %add3A_46, %mul3A_47 : i32
    %scan3A_49 = arith.constant 0 : i32
    %scan3A_50 = arith.constant 0 : i32
    %scan3A_51 = arith.constant 8 : i32
    %scan3A_52 = arith.addi %scan3A_50, %scan3A_51 : i32
    %scan3A_53 = arith.constant 1 : i32
    scf.for %scan3A_55 = %scan3A_50 to %scan3A_52 step %scan3A_53  : i32 {
      %mul3A_56 = arith.constant 512 : i32
      %mul3A_57 = arith.muli %scan3A_55, %mul3A_56 : i32
      %dma_start3A = tpu.memref_slice %arg9[%mul3A_57] : memref<4096xi32, #tpu.memory_space<vmem>> -> memref<512xi32, #tpu.memory_space<vmem>>
      %dma_start3A_58 = arith.constant 0 : i32
      %dma_start3A_59 = arith.constant 0 : i32
      %dma_start3A_60 = tpu.memref_slice %arg3[%dma_start3A_58, %dma_start3A_59] : memref<32768x32xf32, #tpu.memory_space<hbm>> -> memref<32768x32xf32, #tpu.memory_space<hbm>>
      tpu.enqueue_indirect_dma source(%dma_start3A_60 : memref<32768x32xf32, #tpu.memory_space<hbm>>) target(%arg10 : memref<512x32xf32, #tpu.memory_space<vmem>>) offsets(%dma_start3A : memref<512xi32, #tpu.memory_space<vmem>>) semaphore(%arg11 : memref<!tpu.dma_semaphore, #tpu.memory_space<semaphore_mem>>)
      %dma_wait3A = tpu.memref_slice %arg9[%mul3A_57] : memref<4096xi32, #tpu.memory_space<vmem>> -> memref<512xi32, #tpu.memory_space<vmem>>
      %dma_wait3A_61 = arith.constant 0 : i32
      %dma_wait3A_62 = arith.constant 0 : i32
      %dma_wait3A_63 = tpu.memref_slice %arg3[%dma_wait3A_61, %dma_wait3A_62] : memref<32768x32xf32, #tpu.memory_space<hbm>> -> memref<32768x32xf32, #tpu.memory_space<hbm>>
      tpu.wait_indirect_dma semaphore(%arg11 : memref<!tpu.dma_semaphore, #tpu.memory_space<semaphore_mem>>) src(%dma_wait3A_63 : memref<32768x32xf32, #tpu.memory_space<hbm>>) dst(%arg10 : memref<512x32xf32, #tpu.memory_space<vmem>>)
      %mul3A_64 = arith.constant 512 : i32
      %mul3A_65 = arith.muli %scan3A_55, %mul3A_64 : i32
      %add3A_66 = arith.addi %mul3A_48, %mul3A_65 : i32
      "tpu.region"() ({
        %run_scoped3A = tpu.sem_alloc : memref<!tpu.dma_semaphore, #tpu.memory_space<semaphore_mem>>
        %dma_start3A_67 = arith.constant 0 : i32
        %dma_start3A_68 = tpu.memref_slice %arg4[%add3A_66, %dma_start3A_67] : memref<131072x32xf32, #tpu.memory_space<hbm>> -> memref<512x32xf32, #tpu.memory_space<hbm>>
        %dma_start3A_69 = arith.constant 0 : i32
        %dma_start3A_70 = tpu.memref_slice %arg4[%add3A_66, %dma_start3A_69] : memref<131072x32xf32, #tpu.memory_space<hbm>> -> memref<512x32xf32, #tpu.memory_space<hbm>>
        tpu.enqueue_dma source(%arg10 : memref<512x32xf32, #tpu.memory_space<vmem>>) target(%dma_start3A_70 : memref<512x32xf32, #tpu.memory_space<hbm>>) target_semaphore(%run_scoped3A : memref<!tpu.dma_semaphore, #tpu.memory_space<semaphore_mem>>)
        %dma_wait3A_71 = arith.constant 0 : i32
        %dma_wait3A_72 = tpu.memref_slice %arg4[%add3A_66, %dma_wait3A_71] : memref<131072x32xf32, #tpu.memory_space<hbm>> -> memref<512x32xf32, #tpu.memory_space<hbm>>
        %dma_wait3A_73 = arith.constant 0 : i32
        %dma_wait3A_74 = tpu.memref_slice %arg4[%add3A_66, %dma_wait3A_73] : memref<131072x32xf32, #tpu.memory_space<hbm>> -> memref<512x32xf32, #tpu.memory_space<hbm>>
        tpu.wait_dma2 semaphore(%run_scoped3A : memref<!tpu.dma_semaphore, #tpu.memory_space<semaphore_mem>>) src(%arg10 : memref<512x32xf32, #tpu.memory_space<vmem>>) dst(%dma_wait3A_74 : memref<512x32xf32, #tpu.memory_space<hbm>>)
        tpu.yield
      }) : () -> ()
    }
    %scan3A_54 = arith.constant 8 : i32
    return
  }
}

module attributes {stable_mosaic.version = 14 : i64} {
  func.func @_p1_body(%arg0: i32, %arg1: memref<2048x32xf32, #tpu.memory_space<vmem>>, %arg2: memref<64x32xf32, #tpu.memory_space<vmem>>, %arg3: memref<32x32xf32, #tpu.memory_space<vmem>>, %arg4: memref<2048x32xf32, #tpu.memory_space<vmem>>, %arg5: memref<8x32xf32, #tpu.memory_space<vmem>>) attributes {dimension_semantics = [#tpu.dimension_semantics<arbitrary>], iteration_bounds = array<i64: 64>, scalar_prefetch = 0 : i64, scratch_operands = 0 : i64, tpu.core_type = #tpu.core_type<tc>, window_params = [{transform_indices = @transform_0, window_bounds = array<i64: 2048, 32>}, {transform_indices = @transform_1, window_bounds = array<i64: 64, 32>}, {pipeline_mode = #tpu.pipeline_mode<synchronous>, transform_indices = @transform_2, window_bounds = array<i64: 32, 32>}, {transform_indices = @transform_3, window_bounds = array<i64: 2048, 32>}, {pipeline_mode = #tpu.pipeline_mode<synchronous>, transform_indices = @transform_4, window_bounds = array<i64: 8, 32>}]} {
    %get3A = arith.constant 0 : index
    %get3A_0 = arith.constant 0 : index
    %get3A_1 = vector.load %arg1[%get3A, %get3A_0] : memref<2048x32xf32, #tpu.memory_space<vmem>>, vector<2048x32xf32>
    %reshape3A = vector.shape_cast %get3A_1 : vector<2048x32xf32> to vector<64x32x32xf32>
    %get3A_2 = arith.constant 0 : index
    %get3A_3 = arith.constant 0 : index
    %get3A_4 = vector.load %arg2[%get3A_2, %get3A_3] : memref<64x32xf32, #tpu.memory_space<vmem>>, vector<64x32xf32>
    %broadcast_in_dim3A = vector.shape_cast %get3A_4 : vector<64x32xf32> to vector<64x1x32xf32>
    %sub3A = vector.broadcast %broadcast_in_dim3A : vector<64x1x32xf32> to vector<64x32x32xf32>
    %sub3A_5 = arith.subf %reshape3A, %sub3A : vector<64x32x32xf32>
    %reshape3A_6 = vector.shape_cast %sub3A_5 : vector<64x32x32xf32> to vector<2048x32xf32>
    %get3A_7 = arith.constant 0 : index
    %get3A_8 = arith.constant 0 : index
    %get3A_9 = vector.load %arg3[%get3A_7, %get3A_8] : memref<32x32xf32, #tpu.memory_space<vmem>>, vector<32x32xf32>
    %dot_general3A = arith.constant dense<0.000000e+00> : vector<2048x32xf32>
    %dot_general3A_10 = tpu.matmul %reshape3A_6, %get3A_9, %dot_general3A {dimension_numbers = #tpu.dot_dimension_numbers<[1], [0], [0], [1], [0, 0, 1, 1], [], []>, transpose_lhs_hint = false} : vector<2048x32xf32>, vector<32x32xf32>, vector<2048x32xf32> -> vector<2048x32xf32>
    %swap3A = arith.constant 0 : index
    %swap3A_11 = arith.constant 0 : index
    %swap3A_12 = vector.load %arg4[%swap3A, %swap3A_11] : memref<2048x32xf32, #tpu.memory_space<vmem>>, vector<2048x32xf32>
    tpu.vector_store %arg4[%swap3A, %swap3A_11], %dot_general3A_10 {strides = array<i32>} : memref<2048x32xf32, #tpu.memory_space<vmem>>, vector<2048x32xf32>,
    %eq3A = arith.constant 0 : i32
    %eq3A_13 = arith.cmpi eq, %arg0, %eq3A : i32
    %convert_element_type3A = arith.extui %eq3A_13 : i1 to i32
    %cond3A = arith.constant 0 : i32
    %cond3A_14 = arith.cmpi ne, %convert_element_type3A, %cond3A : i32
    scf.if %cond3A_14 {
      %broadcast_in_dim3A_33 = arith.constant 0.000000e+00 : f32
      %broadcast_in_dim3A_34 = vector.broadcast %broadcast_in_dim3A_33 : f32 to vector<8x32xf32>
      %swap3A_35 = arith.constant 0 : index
      %swap3A_36 = arith.constant 0 : index
      %swap3A_37 = vector.load %arg5[%swap3A_35, %swap3A_36] : memref<8x32xf32, #tpu.memory_space<vmem>>, vector<8x32xf32>
      tpu.vector_store %arg5[%swap3A_35, %swap3A_36], %broadcast_in_dim3A_34 {strides = array<i32>} : memref<8x32xf32, #tpu.memory_space<vmem>>, vector<8x32xf32>,
    } else {
    }
    %get3A_15 = arith.constant 0 : index
    %get3A_16 = arith.constant 0 : index
    %get3A_17 = vector.load %arg5[%get3A_15, %get3A_16] : memref<8x32xf32, #tpu.memory_space<vmem>>, vector<1x32xf32>
    %reduce_sum3A = arith.constant dense<0.000000e+00> : vector<32xf32>
    %reduce_sum3A_18 = vector.multi_reduction <add>, %dot_general3A_10, %reduce_sum3A [0] : vector<2048x32xf32> to vector<32xf32>
    %broadcast_in_dim3A_19 = vector.shape_cast %reduce_sum3A_18 : vector<32xf32> to vector<1x32xf32>
    %add3A = arith.addf %get3A_17, %broadcast_in_dim3A_19 : vector<1x32xf32>
    %swap3A_20 = arith.constant 0 : index
    %swap3A_21 = arith.constant 0 : index
    %swap3A_22 = vector.load %arg5[%swap3A_20, %swap3A_21] : memref<8x32xf32, #tpu.memory_space<vmem>>, vector<1x32xf32>
    tpu.vector_store %arg5[%swap3A_20, %swap3A_21], %add3A {strides = array<i32>} : memref<8x32xf32, #tpu.memory_space<vmem>>, vector<1x32xf32>,
    %get3A_23 = arith.constant 1 : index
    %get3A_24 = arith.constant 0 : index
    %get3A_25 = vector.load %arg5[%get3A_23, %get3A_24] : memref<8x32xf32, #tpu.memory_space<vmem>>, vector<1x32xf32>
    %mul3A = arith.mulf %dot_general3A_10, %dot_general3A_10 : vector<2048x32xf32>
    %reduce_sum3A_26 = arith.constant dense<0.000000e+00> : vector<32xf32>
    %reduce_sum3A_27 = vector.multi_reduction <add>, %mul3A, %reduce_sum3A_26 [0] : vector<2048x32xf32> to vector<32xf32>
    %broadcast_in_dim3A_28 = vector.shape_cast %reduce_sum3A_27 : vector<32xf32> to vector<1x32xf32>
    %add3A_29 = arith.addf %get3A_25, %broadcast_in_dim3A_28 : vector<1x32xf32>
    %swap3A_30 = arith.constant 1 : index
    %swap3A_31 = arith.constant 0 : index
    %swap3A_32 = vector.load %arg5[%swap3A_30, %swap3A_31] : memref<8x32xf32, #tpu.memory_space<vmem>>, vector<1x32xf32>
    tpu.vector_store %arg5[%swap3A_30, %swap3A_31], %add3A_29 {strides = array<i32>} : memref<8x32xf32, #tpu.memory_space<vmem>>, vector<1x32xf32>,
    return
  }
  func.func @transform_0(%arg0: i32) -> (i32, i32) {
    %c0_i32 = arith.constant 0 : i32
    %c0_i32_0 = arith.constant 0 : i32
    return %arg0, %c0_i32 : i32, i32
  }
  func.func @transform_1(%arg0: i32) -> (i32, i32) {
    %c0_i32 = arith.constant 0 : i32
    %c0_i32_0 = arith.constant 0 : i32
    return %arg0, %c0_i32 : i32, i32
  }
  func.func @transform_2(%arg0: i32) -> (i32, i32) {
    %c0_i32 = arith.constant 0 : i32
    %c0_i32_0 = arith.constant 0 : i32
    %c0_i32_1 = arith.constant 0 : i32
    return %c0_i32, %c0_i32_0 : i32, i32
  }
  func.func @transform_3(%arg0: i32) -> (i32, i32) {
    %c0_i32 = arith.constant 0 : i32
    %c0_i32_0 = arith.constant 0 : i32
    return %arg0, %c0_i32 : i32, i32
  }
  func.func @transform_4(%arg0: i32) -> (i32, i32) {
    %c0_i32 = arith.constant 0 : i32
    %c0_i32_0 = arith.constant 0 : i32
    %c0_i32_1 = arith.constant 0 : i32
    return %c0_i32, %c0_i32_0 : i32, i32
  }
}

module attributes {stable_mosaic.version = 14 : i64} {
  func.func @_mid_body(%arg0: i32, %arg1: memref<2048x32xf32, #tpu.memory_space<vmem>>, %arg2: memref<1x32xf32, #tpu.memory_space<vmem>>, %arg3: memref<1x32xf32, #tpu.memory_space<vmem>>, %arg4: memref<32x32xf32, #tpu.memory_space<vmem>>, %arg5: memref<2048x32xf32, #tpu.memory_space<vmem>>, %arg6: memref<8x32xf32, #tpu.memory_space<vmem>>) attributes {dimension_semantics = [#tpu.dimension_semantics<arbitrary>], iteration_bounds = array<i64: 64>, scalar_prefetch = 0 : i64, scratch_operands = 0 : i64, tpu.core_type = #tpu.core_type<tc>, window_params = [{transform_indices = @transform_0, window_bounds = array<i64: 2048, 32>}, {pipeline_mode = #tpu.pipeline_mode<synchronous>, transform_indices = @transform_1, window_bounds = array<i64: 1, 32>}, {pipeline_mode = #tpu.pipeline_mode<synchronous>, transform_indices = @transform_2, window_bounds = array<i64: 1, 32>}, {pipeline_mode = #tpu.pipeline_mode<synchronous>, transform_indices = @transform_3, window_bounds = array<i64: 32, 32>}, {transform_indices = @transform_4, window_bounds = array<i64: 2048, 32>}, {pipeline_mode = #tpu.pipeline_mode<synchronous>, transform_indices = @transform_5, window_bounds = array<i64: 8, 32>}]} {
    %get3A = arith.constant 0 : index
    %get3A_0 = arith.constant 0 : index
    %get3A_1 = vector.load %arg1[%get3A, %get3A_0] : memref<2048x32xf32, #tpu.memory_space<vmem>>, vector<2048x32xf32>
    %get3A_2 = arith.constant 0 : index
    %get3A_3 = arith.constant 0 : index
    %get3A_4 = vector.load %arg2[%get3A_2, %get3A_3] : memref<1x32xf32, #tpu.memory_space<vmem>>, vector<1x32xf32>
    %mul3A = vector.broadcast %get3A_4 : vector<1x32xf32> to vector<2048x32xf32>
    %mul3A_5 = arith.mulf %get3A_1, %mul3A : vector<2048x32xf32>
    %get3A_6 = arith.constant 0 : index
    %get3A_7 = arith.constant 0 : index
    %get3A_8 = vector.load %arg3[%get3A_6, %get3A_7] : memref<1x32xf32, #tpu.memory_space<vmem>>, vector<1x32xf32>
    %add3A = vector.broadcast %get3A_8 : vector<1x32xf32> to vector<2048x32xf32>
    %add3A_9 = arith.addf %mul3A_5, %add3A : vector<2048x32xf32>
    %max3A = arith.constant 0.000000e+00 : f32
    %max3A_10 = vector.broadcast %max3A : f32 to vector<2048x32xf32>
    %max3A_11 = arith.maximumf %add3A_9, %max3A_10 : vector<2048x32xf32>
    %get3A_12 = arith.constant 0 : index
    %get3A_13 = arith.constant 0 : index
    %get3A_14 = vector.load %arg4[%get3A_12, %get3A_13] : memref<32x32xf32, #tpu.memory_space<vmem>>, vector<32x32xf32>
    %dot_general3A = arith.constant dense<0.000000e+00> : vector<2048x32xf32>
    %dot_general3A_15 = tpu.matmul %max3A_11, %get3A_14, %dot_general3A {dimension_numbers = #tpu.dot_dimension_numbers<[1], [0], [0], [1], [0, 0, 1, 1], [], []>, transpose_lhs_hint = false} : vector<2048x32xf32>, vector<32x32xf32>, vector<2048x32xf32> -> vector<2048x32xf32>
    %swap3A = arith.constant 0 : index
    %swap3A_16 = arith.constant 0 : index
    %swap3A_17 = vector.load %arg5[%swap3A, %swap3A_16] : memref<2048x32xf32, #tpu.memory_space<vmem>>, vector<2048x32xf32>
    tpu.vector_store %arg5[%swap3A, %swap3A_16], %dot_general3A_15 {strides = array<i32>} : memref<2048x32xf32, #tpu.memory_space<vmem>>, vector<2048x32xf32>,
    %eq3A = arith.constant 0 : i32
    %eq3A_18 = arith.cmpi eq, %arg0, %eq3A : i32
    %convert_element_type3A = arith.extui %eq3A_18 : i1 to i32
    %cond3A = arith.constant 0 : i32
    %cond3A_19 = arith.cmpi ne, %convert_element_type3A, %cond3A : i32
    scf.if %cond3A_19 {
      %broadcast_in_dim3A_39 = arith.constant 0.000000e+00 : f32
      %broadcast_in_dim3A_40 = vector.broadcast %broadcast_in_dim3A_39 : f32 to vector<8x32xf32>
      %swap3A_41 = arith.constant 0 : index
      %swap3A_42 = arith.constant 0 : index
      %swap3A_43 = vector.load %arg6[%swap3A_41, %swap3A_42] : memref<8x32xf32, #tpu.memory_space<vmem>>, vector<8x32xf32>
      tpu.vector_store %arg6[%swap3A_41, %swap3A_42], %broadcast_in_dim3A_40 {strides = array<i32>} : memref<8x32xf32, #tpu.memory_space<vmem>>, vector<8x32xf32>,
    } else {
    }
    %get3A_20 = arith.constant 0 : index
    %get3A_21 = arith.constant 0 : index
    %get3A_22 = vector.load %arg6[%get3A_20, %get3A_21] : memref<8x32xf32, #tpu.memory_space<vmem>>, vector<1x32xf32>
    %reduce_sum3A = arith.constant dense<0.000000e+00> : vector<32xf32>
    %reduce_sum3A_23 = vector.multi_reduction <add>, %dot_general3A_15, %reduce_sum3A [0] : vector<2048x32xf32> to vector<32xf32>
    %broadcast_in_dim3A = vector.shape_cast %reduce_sum3A_23 : vector<32xf32> to vector<1x32xf32>
    %add3A_24 = arith.addf %get3A_22, %broadcast_in_dim3A : vector<1x32xf32>
    %swap3A_25 = arith.constant 0 : index
    %swap3A_26 = arith.constant 0 : index
    %swap3A_27 = vector.load %arg6[%swap3A_25, %swap3A_26] : memref<8x32xf32, #tpu.memory_space<vmem>>, vector<1x32xf32>
    tpu.vector_store %arg6[%swap3A_25, %swap3A_26], %add3A_24 {strides = array<i32>} : memref<8x32xf32, #tpu.memory_space<vmem>>, vector<1x32xf32>,
    %get3A_28 = arith.constant 1 : index
    %get3A_29 = arith.constant 0 : index
    %get3A_30 = vector.load %arg6[%get3A_28, %get3A_29] : memref<8x32xf32, #tpu.memory_space<vmem>>, vector<1x32xf32>
    %mul3A_31 = arith.mulf %dot_general3A_15, %dot_general3A_15 : vector<2048x32xf32>
    %reduce_sum3A_32 = arith.constant dense<0.000000e+00> : vector<32xf32>
    %reduce_sum3A_33 = vector.multi_reduction <add>, %mul3A_31, %reduce_sum3A_32 [0] : vector<2048x32xf32> to vector<32xf32>
    %broadcast_in_dim3A_34 = vector.shape_cast %reduce_sum3A_33 : vector<32xf32> to vector<1x32xf32>
    %add3A_35 = arith.addf %get3A_30, %broadcast_in_dim3A_34 : vector<1x32xf32>
    %swap3A_36 = arith.constant 1 : index
    %swap3A_37 = arith.constant 0 : index
    %swap3A_38 = vector.load %arg6[%swap3A_36, %swap3A_37] : memref<8x32xf32, #tpu.memory_space<vmem>>, vector<1x32xf32>
    tpu.vector_store %arg6[%swap3A_36, %swap3A_37], %add3A_35 {strides = array<i32>} : memref<8x32xf32, #tpu.memory_space<vmem>>, vector<1x32xf32>,
    return
  }
  func.func @transform_0(%arg0: i32) -> (i32, i32) {
    %c0_i32 = arith.constant 0 : i32
    %c0_i32_0 = arith.constant 0 : i32
    return %arg0, %c0_i32 : i32, i32
  }
  func.func @transform_1(%arg0: i32) -> (i32, i32) {
    %c0_i32 = arith.constant 0 : i32
    %c0_i32_0 = arith.constant 0 : i32
    %c0_i32_1 = arith.constant 0 : i32
    return %c0_i32, %c0_i32_0 : i32, i32
  }
  func.func @transform_2(%arg0: i32) -> (i32, i32) {
    %c0_i32 = arith.constant 0 : i32
    %c0_i32_0 = arith.constant 0 : i32
    %c0_i32_1 = arith.constant 0 : i32
    return %c0_i32, %c0_i32_0 : i32, i32
  }
  func.func @transform_3(%arg0: i32) -> (i32, i32) {
    %c0_i32 = arith.constant 0 : i32
    %c0_i32_0 = arith.constant 0 : i32
    %c0_i32_1 = arith.constant 0 : i32
    return %c0_i32, %c0_i32_0 : i32, i32
  }
  func.func @transform_4(%arg0: i32) -> (i32, i32) {
    %c0_i32 = arith.constant 0 : i32
    %c0_i32_0 = arith.constant 0 : i32
    return %arg0, %c0_i32 : i32, i32
  }
  func.func @transform_5(%arg0: i32) -> (i32, i32) {
    %c0_i32 = arith.constant 0 : i32
    %c0_i32_0 = arith.constant 0 : i32
    %c0_i32_1 = arith.constant 0 : i32
    return %c0_i32, %c0_i32_0 : i32, i32
  }
}

module attributes {stable_mosaic.version = 14 : i64} {
  func.func @_mid_body(%arg0: i32, %arg1: memref<2048x32xf32, #tpu.memory_space<vmem>>, %arg2: memref<1x32xf32, #tpu.memory_space<vmem>>, %arg3: memref<1x32xf32, #tpu.memory_space<vmem>>, %arg4: memref<32x64xf32, #tpu.memory_space<vmem>>, %arg5: memref<2048x64xf32, #tpu.memory_space<vmem>>, %arg6: memref<8x64xf32, #tpu.memory_space<vmem>>) attributes {dimension_semantics = [#tpu.dimension_semantics<arbitrary>], iteration_bounds = array<i64: 64>, scalar_prefetch = 0 : i64, scratch_operands = 0 : i64, tpu.core_type = #tpu.core_type<tc>, window_params = [{transform_indices = @transform_0, window_bounds = array<i64: 2048, 32>}, {pipeline_mode = #tpu.pipeline_mode<synchronous>, transform_indices = @transform_1, window_bounds = array<i64: 1, 32>}, {pipeline_mode = #tpu.pipeline_mode<synchronous>, transform_indices = @transform_2, window_bounds = array<i64: 1, 32>}, {pipeline_mode = #tpu.pipeline_mode<synchronous>, transform_indices = @transform_3, window_bounds = array<i64: 32, 64>}, {transform_indices = @transform_4, window_bounds = array<i64: 2048, 64>}, {pipeline_mode = #tpu.pipeline_mode<synchronous>, transform_indices = @transform_5, window_bounds = array<i64: 8, 64>}]} {
    %get3A = arith.constant 0 : index
    %get3A_0 = arith.constant 0 : index
    %get3A_1 = vector.load %arg1[%get3A, %get3A_0] : memref<2048x32xf32, #tpu.memory_space<vmem>>, vector<2048x32xf32>
    %get3A_2 = arith.constant 0 : index
    %get3A_3 = arith.constant 0 : index
    %get3A_4 = vector.load %arg2[%get3A_2, %get3A_3] : memref<1x32xf32, #tpu.memory_space<vmem>>, vector<1x32xf32>
    %mul3A = vector.broadcast %get3A_4 : vector<1x32xf32> to vector<2048x32xf32>
    %mul3A_5 = arith.mulf %get3A_1, %mul3A : vector<2048x32xf32>
    %get3A_6 = arith.constant 0 : index
    %get3A_7 = arith.constant 0 : index
    %get3A_8 = vector.load %arg3[%get3A_6, %get3A_7] : memref<1x32xf32, #tpu.memory_space<vmem>>, vector<1x32xf32>
    %add3A = vector.broadcast %get3A_8 : vector<1x32xf32> to vector<2048x32xf32>
    %add3A_9 = arith.addf %mul3A_5, %add3A : vector<2048x32xf32>
    %max3A = arith.constant 0.000000e+00 : f32
    %max3A_10 = vector.broadcast %max3A : f32 to vector<2048x32xf32>
    %max3A_11 = arith.maximumf %add3A_9, %max3A_10 : vector<2048x32xf32>
    %get3A_12 = arith.constant 0 : index
    %get3A_13 = arith.constant 0 : index
    %get3A_14 = vector.load %arg4[%get3A_12, %get3A_13] : memref<32x64xf32, #tpu.memory_space<vmem>>, vector<32x64xf32>
    %dot_general3A = arith.constant dense<0.000000e+00> : vector<2048x64xf32>
    %dot_general3A_15 = tpu.matmul %max3A_11, %get3A_14, %dot_general3A {dimension_numbers = #tpu.dot_dimension_numbers<[1], [0], [0], [1], [0, 0, 1, 1], [], []>, transpose_lhs_hint = false} : vector<2048x32xf32>, vector<32x64xf32>, vector<2048x64xf32> -> vector<2048x64xf32>
    %swap3A = arith.constant 0 : index
    %swap3A_16 = arith.constant 0 : index
    %swap3A_17 = vector.load %arg5[%swap3A, %swap3A_16] : memref<2048x64xf32, #tpu.memory_space<vmem>>, vector<2048x64xf32>
    tpu.vector_store %arg5[%swap3A, %swap3A_16], %dot_general3A_15 {strides = array<i32>} : memref<2048x64xf32, #tpu.memory_space<vmem>>, vector<2048x64xf32>,
    %eq3A = arith.constant 0 : i32
    %eq3A_18 = arith.cmpi eq, %arg0, %eq3A : i32
    %convert_element_type3A = arith.extui %eq3A_18 : i1 to i32
    %cond3A = arith.constant 0 : i32
    %cond3A_19 = arith.cmpi ne, %convert_element_type3A, %cond3A : i32
    scf.if %cond3A_19 {
      %broadcast_in_dim3A_39 = arith.constant 0.000000e+00 : f32
      %broadcast_in_dim3A_40 = vector.broadcast %broadcast_in_dim3A_39 : f32 to vector<8x64xf32>
      %swap3A_41 = arith.constant 0 : index
      %swap3A_42 = arith.constant 0 : index
      %swap3A_43 = vector.load %arg6[%swap3A_41, %swap3A_42] : memref<8x64xf32, #tpu.memory_space<vmem>>, vector<8x64xf32>
      tpu.vector_store %arg6[%swap3A_41, %swap3A_42], %broadcast_in_dim3A_40 {strides = array<i32>} : memref<8x64xf32, #tpu.memory_space<vmem>>, vector<8x64xf32>,
    } else {
    }
    %get3A_20 = arith.constant 0 : index
    %get3A_21 = arith.constant 0 : index
    %get3A_22 = vector.load %arg6[%get3A_20, %get3A_21] : memref<8x64xf32, #tpu.memory_space<vmem>>, vector<1x64xf32>
    %reduce_sum3A = arith.constant dense<0.000000e+00> : vector<64xf32>
    %reduce_sum3A_23 = vector.multi_reduction <add>, %dot_general3A_15, %reduce_sum3A [0] : vector<2048x64xf32> to vector<64xf32>
    %broadcast_in_dim3A = vector.shape_cast %reduce_sum3A_23 : vector<64xf32> to vector<1x64xf32>
    %add3A_24 = arith.addf %get3A_22, %broadcast_in_dim3A : vector<1x64xf32>
    %swap3A_25 = arith.constant 0 : index
    %swap3A_26 = arith.constant 0 : index
    %swap3A_27 = vector.load %arg6[%swap3A_25, %swap3A_26] : memref<8x64xf32, #tpu.memory_space<vmem>>, vector<1x64xf32>
    tpu.vector_store %arg6[%swap3A_25, %swap3A_26], %add3A_24 {strides = array<i32>} : memref<8x64xf32, #tpu.memory_space<vmem>>, vector<1x64xf32>,
    %get3A_28 = arith.constant 1 : index
    %get3A_29 = arith.constant 0 : index
    %get3A_30 = vector.load %arg6[%get3A_28, %get3A_29] : memref<8x64xf32, #tpu.memory_space<vmem>>, vector<1x64xf32>
    %mul3A_31 = arith.mulf %dot_general3A_15, %dot_general3A_15 : vector<2048x64xf32>
    %reduce_sum3A_32 = arith.constant dense<0.000000e+00> : vector<64xf32>
    %reduce_sum3A_33 = vector.multi_reduction <add>, %mul3A_31, %reduce_sum3A_32 [0] : vector<2048x64xf32> to vector<64xf32>
    %broadcast_in_dim3A_34 = vector.shape_cast %reduce_sum3A_33 : vector<64xf32> to vector<1x64xf32>
    %add3A_35 = arith.addf %get3A_30, %broadcast_in_dim3A_34 : vector<1x64xf32>
    %swap3A_36 = arith.constant 1 : index
    %swap3A_37 = arith.constant 0 : index
    %swap3A_38 = vector.load %arg6[%swap3A_36, %swap3A_37] : memref<8x64xf32, #tpu.memory_space<vmem>>, vector<1x64xf32>
    tpu.vector_store %arg6[%swap3A_36, %swap3A_37], %add3A_35 {strides = array<i32>} : memref<8x64xf32, #tpu.memory_space<vmem>>, vector<1x64xf32>,
    return
  }
  func.func @transform_0(%arg0: i32) -> (i32, i32) {
    %c0_i32 = arith.constant 0 : i32
    %c0_i32_0 = arith.constant 0 : i32
    return %arg0, %c0_i32 : i32, i32
  }
  func.func @transform_1(%arg0: i32) -> (i32, i32) {
    %c0_i32 = arith.constant 0 : i32
    %c0_i32_0 = arith.constant 0 : i32
    %c0_i32_1 = arith.constant 0 : i32
    return %c0_i32, %c0_i32_0 : i32, i32
  }
  func.func @transform_2(%arg0: i32) -> (i32, i32) {
    %c0_i32 = arith.constant 0 : i32
    %c0_i32_0 = arith.constant 0 : i32
    %c0_i32_1 = arith.constant 0 : i32
    return %c0_i32, %c0_i32_0 : i32, i32
  }
  func.func @transform_3(%arg0: i32) -> (i32, i32) {
    %c0_i32 = arith.constant 0 : i32
    %c0_i32_0 = arith.constant 0 : i32
    %c0_i32_1 = arith.constant 0 : i32
    return %c0_i32, %c0_i32_0 : i32, i32
  }
  func.func @transform_4(%arg0: i32) -> (i32, i32) {
    %c0_i32 = arith.constant 0 : i32
    %c0_i32_0 = arith.constant 0 : i32
    return %arg0, %c0_i32 : i32, i32
  }
  func.func @transform_5(%arg0: i32) -> (i32, i32) {
    %c0_i32 = arith.constant 0 : i32
    %c0_i32_0 = arith.constant 0 : i32
    %c0_i32_1 = arith.constant 0 : i32
    return %c0_i32, %c0_i32_0 : i32, i32
  }
}

module attributes {stable_mosaic.version = 14 : i64} {
  func.func @_p4_body(%arg0: i32, %arg1: memref<2048x64xf32, #tpu.memory_space<vmem>>, %arg2: memref<1x64xf32, #tpu.memory_space<vmem>>, %arg3: memref<1x64xf32, #tpu.memory_space<vmem>>, %arg4: memref<64x64xf32, #tpu.memory_space<vmem>>) attributes {dimension_semantics = [#tpu.dimension_semantics<arbitrary>], iteration_bounds = array<i64: 64>, scalar_prefetch = 0 : i64, scratch_operands = 0 : i64, tpu.core_type = #tpu.core_type<tc>, window_params = [{transform_indices = @transform_0, window_bounds = array<i64: 2048, 64>}, {pipeline_mode = #tpu.pipeline_mode<synchronous>, transform_indices = @transform_1, window_bounds = array<i64: 1, 64>}, {pipeline_mode = #tpu.pipeline_mode<synchronous>, transform_indices = @transform_2, window_bounds = array<i64: 1, 64>}, {transform_indices = @transform_3, window_bounds = array<i64: 64, 64>}]} {
    %get3A = arith.constant 0 : index
    %get3A_0 = arith.constant 0 : index
    %get3A_1 = vector.load %arg1[%get3A, %get3A_0] : memref<2048x64xf32, #tpu.memory_space<vmem>>, vector<2048x64xf32>
    %get3A_2 = arith.constant 0 : index
    %get3A_3 = arith.constant 0 : index
    %get3A_4 = vector.load %arg2[%get3A_2, %get3A_3] : memref<1x64xf32, #tpu.memory_space<vmem>>, vector<1x64xf32>
    %mul3A = vector.broadcast %get3A_4 : vector<1x64xf32> to vector<2048x64xf32>
    %mul3A_5 = arith.mulf %get3A_1, %mul3A : vector<2048x64xf32>
    %get3A_6 = arith.constant 0 : index
    %get3A_7 = arith.constant 0 : index
    %get3A_8 = vector.load %arg3[%get3A_6, %get3A_7] : memref<1x64xf32, #tpu.memory_space<vmem>>, vector<1x64xf32>
    %add3A = vector.broadcast %get3A_8 : vector<1x64xf32> to vector<2048x64xf32>
    %add3A_9 = arith.addf %mul3A_5, %add3A : vector<2048x64xf32>
    %max3A = arith.constant 0.000000e+00 : f32
    %max3A_10 = vector.broadcast %max3A : f32 to vector<2048x64xf32>
    %max3A_11 = arith.maximumf %add3A_9, %max3A_10 : vector<2048x64xf32>
    %reshape3A = vector.shape_cast %max3A_11 : vector<2048x64xf32> to vector<64x32x64xf32>
    %reduce_max3A = arith.constant dense<0xFF800000> : vector<64x64xf32>
    %reduce_max3A_12 = vector.multi_reduction <maximumf>, %reshape3A, %reduce_max3A [1] : vector<64x32x64xf32> to vector<64x64xf32>
    %swap3A = arith.constant 0 : index
    %swap3A_13 = arith.constant 0 : index
    %swap3A_14 = vector.load %arg4[%swap3A, %swap3A_13] : memref<64x64xf32, #tpu.memory_space<vmem>>, vector<64x64xf32>
    tpu.vector_store %arg4[%swap3A, %swap3A_13], %reduce_max3A_12 {strides = array<i32>} : memref<64x64xf32, #tpu.memory_space<vmem>>, vector<64x64xf32>,
    return
  }
  func.func @transform_0(%arg0: i32) -> (i32, i32) {
    %c0_i32 = arith.constant 0 : i32
    %c0_i32_0 = arith.constant 0 : i32
    return %arg0, %c0_i32 : i32, i32
  }
  func.func @transform_1(%arg0: i32) -> (i32, i32) {
    %c0_i32 = arith.constant 0 : i32
    %c0_i32_0 = arith.constant 0 : i32
    %c0_i32_1 = arith.constant 0 : i32
    return %c0_i32, %c0_i32_0 : i32, i32
  }
  func.func @transform_2(%arg0: i32) -> (i32, i32) {
    %c0_i32 = arith.constant 0 : i32
    %c0_i32_0 = arith.constant 0 : i32
    %c0_i32_1 = arith.constant 0 : i32
    return %c0_i32, %c0_i32_0 : i32, i32
  }
  func.func @transform_3(%arg0: i32) -> (i32, i32) {
    %c0_i32 = arith.constant 0 : i32
    %c0_i32_0 = arith.constant 0 : i32
    return %arg0, %c0_i32 : i32, i32
  }
}

</mosaic_0001>

<sc_bundles>
// kernel: kernel.7.cloned.1.call-start
scs
__scs_entry_jumppad:
0x0: {  	(pc) =	sbr.rel $0x88, $3  }
0x1: {  	(tag) =	ssettag $0x0;
	lr =	simm.s32 $0x1  }
0x2: {  	[smem:$0x3F96] =	sst lr;
	_ =	strace $0xD0000000  }
0x3: {  	_ = 	snop  }
0x4: {  	_ = 	snop  }
0x5: {  	_ = 	snop  }
0x6: {  	_ = 	snop  }
0x7: {  	_ = 	snop  }
__scs_overlays_trampoline_lowered:
0x8: {  	[smem:$0x3FA5] =	sst s0  }
0x9: {  	[smem:$0x3FA6] =	sst s1  }
0xa: {  	[smem:$0x3FA7] =	sst s2  }
0xb: {  	[smem:$0x3FA8] =	sst s3  }
0xc: {  	[smem:$0x3FA9] =	sst s4  }
0xd: {  	[smem:$0x3FAA] =	sst s5  }
0xe: {  	[smem:$0x3FAB] =	sst s6  }
0xf: {  	[smem:$0x3FAC] =	sst s7  }
0x10: {  	[smem:$0x3FAD] =	sst s8  }
0x11: {  	[smem:$0x3FAE] =	sst s9;
	s0 =	simm.s32 @!p0 $0x0  }
0x12: {  	s1 =	sld [smem:$0x3F94];
	s0 =	simm.s32 @p0 $0x1  }
0x13: {  	[smem:$0x3FAF] =	sst s0;
	s0 =	simm.s32 @!p1 $0x0  }
0x14: {  	s2 =	sld [smem:$0x3F93];
	s0 =	simm.s32 @p1 $0x1  }
0x15: {  	[smem:$0x3FB0] =	sst s0;
	s0 =	simm.s32 @!p2 $0x0  }
0x16: {  	s3 =	sld [smem:$0x3FDB];
	s0 =	simm.s32 @p2 $0x1  }
0x17: {  	s4 =	simm.s32 $0x1BF5;
	[smem:$0x3FB2] =	sst s0  }
0x18: {  	s0 =	sld [smem:$0x3F95];
	_ =	swait.ge [sflag:s4], $0x0  }
0x19: {  	s7 =	sld [smem:$0x3F96]  }
0x1a: {  	s8 =	sadd.s32 $0xFFFFE003, lr  }
0x1b: {  	s9 =	sadd.s32 $0xFFFFFEF7, lr;
	s5 =	simm.s32 $0xFFFFFFFF;
	p2 =	slt.u32 s8, $0xFFFFF086  }
0x1c: {  	p1 =	slt.u32 s9, $0xF7A;
	s5 =	simm.s32 @!p2 $0x0  }
0x1d: {  	s5 =	simm.s32 @p1 $0x1;
	p0 =	seq.s32 s7, s2  }
0x1e: {  	s7 =	smul.u32 @!p0 $0xF7A, s2;
	p2 =	seq.s32 @!p0 s5, $0x0  }
0x1f: {  	s9 =	smul.u32 $0xF7A, s1;
	s8 =	simm.s32 @!p0 $0x1BF5;
	p2 =	por !p2, p0  }
0x20: {  	[sflag:s8] =	ssyncset.s32 @!p0 $0xFFFFF086;
	s6 =	sadd.s32 @!p0 s3, s7;
	s7 =	simm.s32 @!p0 $0x108  }
0x21: {  	s3 =	sadd.s32 s3, s9;
	s6 =	sadd.s32 @!p0 $0x88, s6;
	s7 =	simm.s32 @p2 $0x1082  }
0x22: {  	[simem:s7], [sflag:s8] =	dma.local @!p0 [hbm:s6], $0xF7A  }
0x23: {  	s9 =	sor.u32 $0xD0000000, s2;
	s6 =	simm.s32 $0x108;
	_ =	swait.ge @!p0 [sflag:s8], $0x0  }
0x24: {  	s3 =	sadd.s32 $0x88, s3;
	s6 =	simm.s32 @!p1 $0x1082;
	[sflag:s4] =	ssyncset.s32 $0xFFFFF086  }
0x25: {  	[simem:s6], [sflag:s4] =	dma.local [hbm:s3], $0xF7A  }
0x26: {  	[smem:$0x3F96] =	sst s1;
	(tag) =	ssettag s2;
	_ =	strace s9  }
0x27: {  	s1 =	sld [smem:$0x3FA6]  }
0x28: {  	s2 =	sld [smem:$0x3FA7]  }
0x29: {  	s4 =	sld [smem:$0x3FA9]  }
0x2a: {  	p0 =	seq.s32 s5, $0x0;
	s5 =	sld [smem:$0x3FAA]  }
0x2b: {  	s6 =	sld [smem:$0x3FAB]  }
0x2c: {  	s7 =	sld [smem:$0x3FAC]  }
0x2d: {  	s3 =	simm.s32 $0x108;
	s8 =	sld [smem:$0x3FAD]  }
0x2e: {  	s3 =	simm.s32 @!p0 $0x1082;
	s9 =	sld [smem:$0x3FAE]  }
0x2f: {  	lr =	sadd.s32 s0, s3;
	s0 =	sld [smem:$0x3FA5]  }
0x30: {  	s3 =	sld [smem:$0x3FA8]  }
0x31: {  	[smem:$0x3FB1] =	sst s10  }
0x32: {  	s10 =	sld [smem:$0x3FAF];
	_ =	sdelay $0x3  }
0x33: {  	p0 =	seq.s32 s10, $0x1;
	s10 =	sld [smem:$0x3FB1];
	_ =	sdelay $0x3  }
0x34: {  	[smem:$0x3FB1] =	sst s10  }
0x35: {  	s10 =	sld [smem:$0x3FB0];
	_ =	sdelay $0x3  }
0x36: {  	p1 =	seq.s32 s10, $0x1;
	s10 =	sld [smem:$0x3FB1];
	_ =	sdelay $0x3  }
0x37: {  	[smem:$0x3FB1] =	sst s10  }
0x38: {  	s10 =	sld [smem:$0x3FB2]  }
0x39: {  	_ = 	snop;
	(pc) =	sbr.ind lr, $3  }
0x3a: {  	_ = 	snop  }
0x3b: {  	_ = 	snop  }
0x3c: {  	p2 =	seq.s32 s10, $0x1;
	s10 =	sld [smem:$0x3FB1]  }
0x3d: {  	_ =	shalt  }
0x3e: {  	_ =	shalt  }
0x3f: {  	_ =	shalt  }
0x40: {  	_ =	shalt  }
0x41: {  	_ =	shalt  }
0x42: {  	_ =	shalt  }
0x43: {  	_ =	shalt  }
0x44: {  	_ =	shalt  }
0x45: {  	_ =	shalt  }
0x46: {  	_ =	shalt  }
0x47: {  	_ =	shalt  }
0x48: {  	_ =	shalt  }
0x49: {  	_ =	shalt  }
0x4a: {  	_ =	shalt  }
0x4b: {  	_ =	shalt  }
0x4c: {  	_ =	shalt  }
0x4d: {  	_ =	shalt  }
0x4e: {  	_ =	shalt  }
0x4f: {  	_ =	shalt  }
0x50: {  	_ =	shalt  }
0x51: {  	_ =	shalt  }
0x52: {  	_ =	shalt  }
0x53: {  	_ =	shalt  }
0x54: {  	_ =	shalt  }
0x55: {  	_ =	shalt  }
0x56: {  	_ =	shalt  }
0x57: {  	_ =	shalt  }
0x58: {  	_ =	shalt  }
0x59: {  	_ =	shalt  }
0x5a: {  	_ =	shalt  }
0x5b: {  	_ =	shalt  }
0x5c: {  	_ =	shalt  }
0x5d: {  	_ =	shalt  }
0x5e: {  	_ =	shalt  }
0x5f: {  	_ =	shalt  }
0x60: {  	_ =	shalt  }
0x61: {  	_ =	shalt  }
0x62: {  	_ =	shalt  }
0x63: {  	_ =	shalt  }
0x64: {  	_ =	shalt  }
0x65: {  	_ =	shalt  }
0x66: {  	_ =	shalt  }
0x67: {  	_ =	shalt  }
0x68: {  	_ =	shalt  }
0x69: {  	_ =	shalt  }
0x6a: {  	_ =	shalt  }
0x6b: {  	_ =	shalt  }
0x6c: {  	_ =	shalt  }
0x6d: {  	_ =	shalt  }
0x6e: {  	_ =	shalt  }
0x6f: {  	_ =	shalt  }
0x70: {  	_ =	shalt  }
0x71: {  	_ =	shalt  }
0x72: {  	_ =	shalt  }
0x73: {  	_ =	shalt  }
0x74: {  	_ =	shalt  }
0x75: {  	_ =	shalt  }
0x76: {  	_ =	shalt  }
0x77: {  	_ =	shalt  }
0x78: {  	_ =	shalt  }
0x79: {  	_ =	shalt  }
0x7a: {  	_ =	shalt  }
0x7b: {  	_ =	shalt  }
0x7c: {  	_ =	shalt  }
0x7d: {  	_ =	shalt  }
0x7e: {  	_ =	shalt  }
0x7f: {  	_ =	shalt  }
0x80: {  	_ =	shalt  }
0x81: {  	_ =	shalt  }
0x82: {  	_ =	shalt  }
0x83: {  	_ =	shalt  }
0x84: {  	_ =	shalt  }
0x85: {  	_ =	shalt  }
0x86: {  	_ =	shalt  }
0x87: {  	_ =	shalt  }
.Lfunc_end0:
.L_simem_size_0:
called_computation_lowered:
.L_overlay_start_0:
0x88: {  	s2 =	sld [smem:$0x3FD9]  }
0x89: {  	s3 =	sld [smem:$0x3FFE];
	_ =	sdelay $0x1  }
0x8a: {  	s1 =	srdreg.scid  }
0x8b: {  	s0 =	sand.u32 $0x1, s1  }
0x8c: {  	s14 =	sshll.u32 s0, $0xA;
	s2 =	sadd.s32 s3, s2  }
0x8d: {  	s2 =	sadd.s32 s2, s14  }
0x8e: {  	[smem:$0x3FBD] =	sst s2  }
0x8f: {  	_ = 	snop  }
0x90: {  	s2 =	sld [smem:$0x3FD0];
	_ =	sdelay $0x2  }
0x91: {  	s15 =	simm.s32 $0xA;
	s4 =	simm.s32 $0x10  }
0x92: {  	[smem:s4], [sflag:s15] =	dma.local [hbm:s2], $0x1  }
0x93: {  	_ =	swait.eq [sflag:s15], $0x1  }
0x94: {  	[sflag:s15] =	ssyncset.done $0x0  }
0x95: {  	[sflag:s15] =	ssyncadd.s32 $0xFFFFFFFF  }
0x96: {  	s16 =	sld [smem:$0x11];
	(tm) =	ssettm $0x1  }
0x97: {  	s17 =	sld [smem:$0x3FFB];
	_ =	sdelay $0x3  }
0x98: {  	_ =	strace s17  }
0x99: {  	s3 =	sld [smem:$0x3FFC];
	_ =	sdelay $0x3  }
0x9a: {  	_ =	strace s3  }
0x9b: {  	s3 =	sld [smem:$0x3FFD];
	_ =	sdelay $0x3  }
0x9c: {  	_ =	strace s3  }
0x9d: {  	_ =	strace $0x8FFFFFFF  }
0x9e: {  	s18 =	sld [smem:$0x3FDB];
	_ =	sdelay $0x1  }
0x9f: {  	s19 =	simm.s32 $_scs_section_size  }
0xa0: {  	s5 =	simm.s32 $_size__tile_overlayer_lowered;
	s6 =	simm.s32 $_tile_overlayer_lowered  }
0xa1: {  	s22 =	simm.s32 $0x1BFF;
	s21 =	sshll.u32 s6, $0x1;
	s3 =	sadd.s32 s19, s18  }
0xa2: {  	s7 =	simm.s32 $0x0;
	s20 =	sshll.u32 s5, $0x1;
	s5 =	sadd.s32 s21, s3  }
0xa3: {  	[timem:s7], [sflag:s22] =	dma.local [hbm:s5], s20  }
0xa4: {  	_ =	swait.ge [sflag:s22], s20  }
0xa5: {  	s4 =	ssub.s32 $0x0, s20;
	[sflag:s22] =	ssyncset.done $0x0  }
0xa6: {  	[sflag:s22] =	ssyncadd.s32 s4;
	_ =	sdelay $0x1  }
0xa7: {  	s23 =	simm.s32 $0x1B8B  }
0xa8: {  	_ =	swait.ge [sflag:s23], $0x1  }
0xa9: {  	[sflag:s23] =	ssyncset.done $0x0  }
0xaa: {  	s25 =	simm.s32 $0x1B8E;
	s24 =	sld [smem:$0x3FFE];
	[sflag:s23] =	ssyncadd.s32 $0xFFFFFFFF  }
0xab: {  	s26 =	simm.s32 $execute0_lowered;
	[smem:$0x3FD2] =	sst s25  }
0xac: {  	s5 =	sshll.u32 s26, $0x1;
	_ =	strace $0x80000046;
	[dreg:$0x1] =	wrdreg $0xFFFFFFFF  }
0xad: {  	s28 =	simm.s32 $_size_execute0_lowered;
	s3 =	sadd.s32 s3, s5;
	[dreg:$0x0] =	wrdreg $0x0  }
0xae: {  	s5 =	sshll.u32 s28, $0x1;
	[dreg:$0x2] =	wrdreg s3  }
0xaf: {  	[dreg:$0x3] =	wrdreg s5  }
0xb0: {  	[dreg:$0x4] =	wrdreg $0xC0  }
0xb1: {  	_ =	task [dreg:s7], $0x5FFFF  }
0xb2: {  	[dreg:$0x1] =	wrdreg $0xFFFFFFFF  }
0xb3: {  	[dreg:$0x0] =	wrdreg $0x60  }
0xb4: {  	[dreg:$0x2] =	wrdreg s16  }
0xb5: {  	[dreg:$0x3] =	wrdreg s24  }
0xb6: {  	[dreg:$0x4] =	wrdreg $0x9  }
0xb7: {  	_ =	task.clear_ibuf [dreg:s7], $0x5FFFF;
	_ =	strace $0x90000046  }
0xb8: {  	s29 =	simm.s32 $0x9;
	_ =	strace $0x80000048  }
0xb9: {  	_ =	swait.ge [sflag:s29], $0x1  }
0xba: {  	[sflag:s29] =	ssyncadd.s32 $0xFFFFFFFF  }
0xbb: {  	_ =	strace $0x90000048  }
0xbc: {  	_ =	sfence  }
0xbd: {  	s30 =	sld [smem:$0x0];
	_ =	sdelay $0x2  }
0xbe: {  	s31 =	sshll.u32 s1, $0xD;
	s1 =	sshrl.u32 s1, $0x2  }
0xbf: {  	s3 =	sand.u32 $0x4000, s31;
	s1 =	sadd.s32 s1, s30  }
0xc0: {  	s0 =	sor.u32 s3, s0;
	s1 =	sshll.u32 s1, $0x11  }
0xc1: {  	s0 =	sor.u32 s1, s0  }
0xc2: {  	s0 =	sadd.s32 $0x8F2B, s0  }
0xc3: {  	[sflag:s0] =	ssyncadd.remote.s32 $0x1  }
0xc4: {  	_ =	sfence.sel $0xFFFF  }
0xc5: {  	[dreg:$0x0] =	wrdreg $0xFFFFFFFF;
	(pc) =	sbr.abs _section_cstart, $3  }
0xc6: {  	[dreg:$0x1] =	wrdreg $0xFFFFFFFF  }
0xc7: {  	_ =	task.clear_ibuf [dreg:s7], $0x2FFFF;
	_ =	strace $0x9FFFFFFF  }
0xc8: {  	(tm) =	ssettm $0x7FFFFFFF  }
0xc9: {  	_ =	shalt  }
tec
execute0_lowered:
.L_overlay_start_1:
0x0: {  	(tag) =	ssettag $0x1  }
0x1: {  	s0 =	rddreg [dreg:$0x0]  }
0x2: {  	s1 =	rddreg [dreg:$0x1];
	s5 =	stileid.u32  }
0x3: {  	s3 =	srdreg.scid;
	s2 =	simm.s32 $0x0;
	s16 =	simm.s32 $0x2  }
0x4: {  	s17 =	simm.s32 $0xE000;
	s18 =	simm.s32 $0x200;
	s20 =	simm.s32 $0x19000  }
0x5: {  	s21 =	simm.s32 $0x1;
	s30 =	simm.s32 $0x0;
	s31 =	simm.s32 $0x0  }
0x6: {  	s4 =	sshll.u32 s5, $0x1;
	s3 =	sand.u32 $0x1, s3;
	[smem:$0x7FF] =	sst s2  }
0x7: {  	s6 =	sshrl.u32 s5, $0x2;
	s4 =	sand.u32 $0x6, s4;
	_ =	strace $0x80000047  }
0x8: {  	s5 =	sshll.u32 s6, $0x11;
	s26 =	ssub.s32 $0x2, s3;
	s8 =	smul.u32 $0xC00, s6  }
0x9: {  	s22 =	sshll.u32 s6, $0xD;
	s4 =	sor.u32 s3, s4;
	s3 =	sadd.s32 $0x2400, s1  }
0xa: {  	s28 =	sshrl.u32 s26, $0x1;
	s7 =	sshll.u32 s4, $0xE;
	s4 =	sshll.u32 s4, $0x7  }
0xb: {  	s0 =	sadd.s32 s0, s8;
	s5 =	sor.u32 s5, s7;
	s7 =	ssub.s32 s26, s28  }
0xc: {  	[dreg:$0x3] =	wrdreg s0;
	s1 =	sadd.s32 s5, s1;
	s29 =	smax.u32 s7, $0x1  }
0xd: {  	[dreg:$0x4] =	wrdreg s29;
	s8 =	sadd.s32 $0x22400, s1;
	s9 =	sadd.s32 $0x22C00, s1  }
0xe: {  	v0 =	vlaneseq.u32;
	s10 =	sadd.s32 $0x23400, s1;
	s11 =	sadd.s32 $0x23C00, s1;
	s12 =	sadd.s32 $0x24400, s1  }
0xf: {  	v1 =	vor.u32 $0x10, v0;
	s13 =	sadd.s32 $0x24C00, s1;
	s14 =	sadd.s32 $0x25400, s1;
	s15 =	sadd.s32 $0x25C00, s1  }
.LBB2_1:
0x10: {  	s0 =	rddreg [dreg:$0x3]  }
0x11: {  	[tilespmem:s2], [sflag:$0x2] =	stream.linear.gather [hbm4b:s0+s2], $0x6000, $0x38;
	[tilespmem:$0x1D000] =	vst v63  }
0x12: {  	_ =	swait.ge [sflag:s16], $0x6000  }
0x13: {  	[sflag:s16] =	ssyncset.done $0x0  }
0x14: {  	s1 =	simm.s32 $0x0;
	[sflag:s16] =	ssyncadd.s32 $0xFFFFA000  }
0x15: {  	v2 =	vld [tilespmem:s1+$0x0]  }
0x16: {  	v3 =	vld [tilespmem:s1+$0x2000]  }
0x17: {  	v6 =	vld [tilespmem:s1+$0x4000];
	_ =	sdelay $0x3  }
0x18: {  	s0 =	simm.s32 $0x10;
	v5 =	vmul.f32 v2, v2;
	v7 =	vmul.f32 v3, v3;
	v8 =	vshrl.u32 v2, $0x10  }
0x19: {  	v4 =	vld [tilespmem:s0+$0x0];
	v9 =	vshrl.u32 v3, $0x10;
	v10 =	vmul.f32 v6, v6;
	v11 =	vshrl.u32 v6, $0x10  }
0x1a: {  	v8 =	vand.u32 $0x1, v8;
	v9 =	vand.u32 $0x1, v9;
	v7 =	vadd.f32 v7, v5;
	v5 =	vld [tilespmem:s0+$0x2000]  }
0x1b: {  	v2 =	vadd.s32 v8, v2;
	v8 =	vadd.s32 v9, v3;
	v9 =	vand.u32 $0x1, v11  }
0x1c: {  	v3 =	vld [tilespmem:s0+$0x4000];
	v2 =	vadd.s32 $0x7FFF, v2;
	v6 =	vadd.s32 v9, v6  }
0x1d: {  	v8 =	vadd.s32 $0x7FFF, v8;
	v7 =	vadd.f32 v10, v7;
	v2 =	vand.u32 $0xFFFF0000, v2  }
0x1e: {  	v6 =	vadd.s32 $0x7FFF, v6;
	v10 =	vshrl.u32 v4, $0x10;
	v11 =	vand.u32 $0xFFFF0000, v8;
	[tilespmem:s1+$0x6000] =	vst v2  }
0x1f: {  	s6 =	simm.s32 $0x20;
	[tilespmem:s1+$0xC000] =	vst v7;
	v7 =	vmul.f32 v4, v4;
	v8 =	vshrl.u32 v5, $0x10;
	v9 =	vmul.f32 v5, v5  }
0x20: {  	s19 =	simm.s32 $0xC0;
	v6 =	vand.u32 $0xFFFF0000, v6;
	v10 =	vand.u32 $0x1, v10;
	v2 =	vld [tilespmem:s6+$0x0];
	[tilespmem:s1+$0x8000] =	vst v11;
	v8 =	vand.u32 $0x1, v8  }
.LBB2_2:
0x21: {  	p0 =	sne.s32 s19, $0x7FC0;
	v11 =	vld [tilespmem:s6+$0x2000];
	v12 =	vshrl.u32 v3, $0x10;
	v7 =	vadd.f32 v9, v7;
	v9 =	vmul.f32 v3, v3;
	[tilespmem:s1+$0xA000] =	vst v6;
	s1 =	smov.u32 s0;
	s0 =	smov.u32 s6  }
0x22: {  	v4 =	vadd.s32 v10, v4;
	v5 =	vadd.s32 v8, v5;
	v6 =	vand.u32 $0x1, v12  }
.Ltmp0:
0x23: {  	v13 =	vadd.s32 $0x7FFF, v4;
	v6 =	vadd.s32 v6, v3;
	v3 =	vld [tilespmem:s0+$0x4000];
	v7 =	vadd.f32 v9, v7;
	(pc) =	sbr.rel @p0 .LBB2_2-.Ltmp0, $4  }
0x24: {  	v8 =	vand.u32 $0xFFFF0000, v13;
	v9 =	vadd.s32 $0x7FFF, v5;
	v14 =	vadd.s32 $0x7FFF, v6  }
0x25: {  	v12 =	vand.u32 $0xFFFF0000, v9;
	v10 =	vshrl.u32 v2, $0x10;
	v6 =	vand.u32 $0xFFFF0000, v14;
	[tilespmem:s1+$0xC000] =	vst v7;
	v4 =	vmovc v2  }
0x26: {  	s6 =	sshra.s32 s19, $0x2;
	v13 =	vshrl.u32 v11, $0x10;
	v7 =	vmul.f32 v2, v4;
	v9 =	vmul.f32 v11, v11;
	[tilespmem:s1+$0x6000] =	vst v8;
	v5 =	vmovc v11  }
0x27: {  	s19 =	sadd.s32 $0x40, s19;
	v10 =	vand.u32 $0x1, v10;
	v2 =	vld [tilespmem:s6+$0x0];
	v8 =	vand.u32 $0x1, v13;
	[tilespmem:s1+$0x8000] =	vst v12  }
0x28: {  	v11 =	vld [tilespmem:s6+$0x2000];
	v12 =	vshrl.u32 v3, $0x10;
	[tilespmem:s1+$0xA000] =	vst v6;
	v51 =	vadd.f32 v9, v7  }
0x29: {  	v52 =	vmul.f32 v3, v3;
	v4 =	vadd.s32 v10, v4;
	v5 =	vadd.s32 v8, v5;
	v53 =	vld [tilespmem:s6+$0x4000]  }
0x2a: {  	v54 =	vand.u32 $0x1, v12;
	v4 =	vadd.s32 $0x7FFF, v4;
	v5 =	vadd.s32 $0x7FFF, v5  }
0x2b: {  	v3 =	vadd.s32 v54, v3;
	v6 =	vadd.f32 v52, v51;
	v4 =	vand.u32 $0xFFFF0000, v4  }
0x2c: {  	v5 =	vand.u32 $0xFFFF0000, v5;
	v3 =	vadd.s32 $0x7FFF, v3;
	v55 =	vmul.f32 v2, v2  }
0x2d: {  	v57 =	vshrl.u32 v2, $0x10;
	v3 =	vand.u32 $0xFFFF0000, v3;
	v56 =	vmul.f32 v11, v11  }
0x2e: {  	[tilespmem:s0+$0x6000] =	vst v4;
	v58 =	vshrl.u32 v11, $0x10;
	v60 =	vand.u32 $0x1, v57;
	v59 =	vmul.f32 v53, v53  }
0x2f: {  	[tilespmem:s0+$0xC000] =	vst v6;
	v6 =	vand.u32 $0x1, v58;
	v61 =	vshrl.u32 v53, $0x10;
	v2 =	vadd.s32 v60, v2  }
0x30: {  	[tilespmem:s0+$0xA000] =	vst v3;
	v7 =	vadd.f32 v56, v55;
	v3 =	vadd.s32 v6, v11;
	v2 =	vadd.s32 $0x7FFF, v2  }
0x31: {  	[tilespmem:s0+$0x8000] =	vst v5;
	v5 =	vand.u32 $0x1, v61;
	v2 =	vand.u32 $0xFFFF0000, v2;
	v3 =	vadd.s32 $0x7FFF, v3  }
0x32: {  	v5 =	vadd.s32 v5, v53;
	v62 =	vadd.f32 v59, v7;
	v3 =	vand.u32 $0xFFFF0000, v3;
	[tilespmem:s6+$0x6000] =	vst v2  }
0x33: {  	v63 =	vadd.s32 $0x7FFF, v5;
	[tilespmem:s6+$0x8000] =	vst v3  }
0x34: {  	v2 =	vand.u32 $0xFFFF0000, v63;
	[tilespmem:s6+$0xC000] =	vst v62  }
0x35: {  	s0 =	simm.s32 $0x0;
	[tilespmem:s6+$0xA000] =	vst v2  }
.LBB2_4:
0x36: {  	s1 =	sadd.s32 s4, s0  }
0x37: {  	v2 =	vmov s1  }
0x38: {  	v3 =	vor.u32 $0x2000, v2;
	_ =	sdelay $0x1  }
0x39: {  	v4 =	vor.u32 $0x4000, v2;
	_ =	sdelay $0x1  }
0x3a: {  	v5 =	vld.idx.msk [tilespmem:v2+s31+$0x0], $0xffff  }
0x3b: {  	v3 =	vld.idx.msk [tilespmem:v3+s31+$0x0], $0xffff;
	_ =	sdelay $0x1  }
0x3c: {  	v4 =	vld.idx.msk [tilespmem:v4+s31+$0x0], $0xffff;
	_ =	sdelay $0x2  }
0x3d: {  	v2 =	vmul.f32 v5, v5;
	v6 =	vmul.f32 v3, v3;
	_ =	sdelay $0x1  }
0x3e: {  	v2 =	vadd.f32 v6, v2;
	v6 =	vmul.f32 v4, v4;
	_ =	sdelay $0x1  }
0x3f: {  	v2 =	vadd.f32 v6, v2;
	v6 =	vshrl.u32 v5, $0x10  }
0x40: {  	v7 =	vshrl.u32 v3, $0x10;
	v8 =	vshrl.u32 v4, $0x10;
	v6 =	vand.u32 $0x1, v6  }
0x41: {  	v5 =	vadd.s32 v6, v5;
	v6 =	vand.u32 $0x1, v7;
	v7 =	vand.u32 $0x1, v8  }
0x42: {  	s1 =	smul.u32 $0x140, s0;
	v3 =	vadd.s32 v6, v3;
	v5 =	vadd.s32 $0x7FFF, v5;
	v4 =	vadd.s32 v7, v4  }
0x43: {  	v5 =	vand.u32 $0xFFFF0000, v5;
	v3 =	vadd.s32 $0x7FFF, v3;
	v4 =	vadd.s32 $0x7FFF, v4  }
0x44: {  	s19 =	simm.s32 $0x0;
	s6 =	sadd.s32 $0xE000, s1;
	v6 =	vand.u32 $0xFFFF0000, v3;
	v7 =	vand.u32 $0xFFFF0000, v4;
	v3 =	vmul.f32 $-2.000000000e+00, v5  }
0x45: {  	s24 =	simm.s32 $0x0;
	s23 =	simm.s32 $0x0;
	v4 =	vmul.f32 $-2.000000000e+00, v6;
	v5 =	vmul.f32 $-2.000000000e+00, v7;
	v6 =	vmov s6;
	s6 =	smov.u32 s22  }
.LBB2_5:
0x46: {  	s25 =	sshra.s32 s19, $0x2  }
0x47: {  	v7 =	vld [tilespmem:s25+$0x6000]  }
0x48: {  	v8 =	vld [tilespmem:s25+$0x8000]  }
0x49: {  	v9 =	vld [tilespmem:s25+$0xA000]  }
0x4a: {  	v10 =	vld [tilespmem:s25+$0xC000]  }
0x4b: {  	v11 =	vld [tilespmem:s25+$0x6010]  }
0x4c: {  	v12 =	vld [tilespmem:s25+$0x8010]  }
0x4d: {  	v13 =	vld [tilespmem:s25+$0xA010]  }
0x4e: {  	v14 =	vld [tilespmem:s25+$0xC010]  }
0x4f: {  	v15 =	vld [tilespmem:s25+$0x6020]  }
0x50: {  	v16 =	vld [tilespmem:s25+$0x8020]  }
0x51: {  	v17 =	vld [tilespmem:s25+$0xA020]  }
0x52: {  	v54 =	vld [tilespmem:s25+$0xC020]  }
0x53: {  	v18 =	vld [tilespmem:s25+$0x6030]  }
0x54: {  	v19 =	vld [tilespmem:s25+$0xA030]  }
0x55: {  	v20 =	vld [tilespmem:s25+$0xC030]  }
0x56: {  	v21 =	vld [tilespmem:s25+$0x6040]  }
0x57: {  	v57 =	vld [tilespmem:s25+$0x8040]  }
0x58: {  	v22 =	vld [tilespmem:s25+$0xA040]  }
0x59: {  	v59 =	vld [tilespmem:s25+$0xC040];
	v7 =	vmul.f32 v7, v3;
	v8 =	vmul.f32 v8, v4  }
0x5a: {  	v23 =	vld [tilespmem:s25+$0x6050]  }
0x5b: {  	v63 =	vld [tilespmem:s25+$0x8050];
	v7 =	vadd.f32 v8, v7;
	v8 =	vmul.f32 v9, v5  }
0x5c: {  	v24 =	vld [tilespmem:s25+$0xA050]  }
0x5d: {  	v26 =	vld [tilespmem:s25+$0xC050];
	v55 =	vmul.f32 v11, v3;
	v56 =	vmul.f32 v12, v4;
	v7 =	vadd.f32 v8, v7  }
0x5e: {  	v58 =	vmul.f32 v13, v5;
	v61 =	vmul.f32 v15, v3;
	v8 =	vld [tilespmem:s25+$0x8030]  }
0x5f: {  	v28 =	vld [tilespmem:s25+$0x6060];
	v62 =	vmul.f32 v16, v4;
	v18 =	vmul.f32 v18, v3;
	v7 =	vadd.f32 v7, v2  }
0x60: {  	v35 =	vld [tilespmem:s25+$0x6070];
	v25 =	vmul.f32 v17, v5;
	v27 =	vmul.f32 v19, v5  }
0x61: {  	v38 =	vld [tilespmem:s25+$0x8070];
	v30 =	vmul.f32 v21, v3;
	v12 =	vmul.f32 v57, v4;
	v7 =	vadd.f32 v7, v10  }
0x62: {  	v31 =	vld [tilespmem:s25+$0xA060];
	v32 =	vmul.f32 v23, v3;
	v16 =	vmul.f32 v63, v4  }
0x63: {  	v51 =	vld [tilespmem:s25+$0x8090];
	v8 =	vmul.f32 v8, v4;
	vm0 =	vle.f32 v7, $3.999999910e-02;
	v7 =	vadd.f32 v56, v55  }
0x64: {  	v48 =	vld [tilespmem:s25+$0x6090];
	v34 =	vmul.f32 v22, v5;
	v37 =	vmul.f32 v24, v5;
	v12 =	vadd.f32 v12, v30  }
0x65: {  	v29 =	vld [tilespmem:s25+$0x8060];
	v52 =	vmul.f32 v35, v3;
	v8 =	vadd.f32 v8, v18;
	v7 =	vadd.f32 v58, v7  }
0x66: {  	v33 =	vld [tilespmem:s25+$0xC060];
	v53 =	vmul.f32 v38, v4;
	v36 =	vadd.f32 v16, v32;
	v10 =	vadd.f32 v62, v61  }
0x67: {  	v46 =	vld [tilespmem:s25+$0xA080];
	v50 =	vmul.f32 v31, v5;
	v8 =	vadd.f32 v27, v8;
	v7 =	vadd.f32 v7, v2  }
0x68: {  	v39 =	vld [tilespmem:s25+$0xA070];
	v15 =	vmul.f32 v51, v4;
	v57 =	vadd.f32 v53, v52;
	v10 =	vadd.f32 v25, v10  }
0x69: {  	v63 =	vld [tilespmem:s25+$0x60B0];
	v16 =	vmul.f32 v48, v3;
	v8 =	vadd.f32 v8, v2;
	v7 =	vadd.f32 v7, v14  }
0x6a: {  	v42 =	vld [tilespmem:s25+$0xC070];
	v41 =	vadd.f32 v37, v36;
	v60 =	vmpcnt.ones.xlane vm0;
	v10 =	vadd.f32 v10, v2  }
0x6b: {  	v58 =	vld [tilespmem:s25+$0x60A0];
	vm2 =	vle.f32 v7, $3.999999910e-02;
	v7 =	vadd.f32 v8, v20;
	v8 =	vadd.f32 v34, v12  }
0x6c: {  	v45 =	vld [tilespmem:s25+$0x8080];
	v11 =	vmul.f32 v46, v5;
	v23 =	vadd.f32 v15, v16;
	v9 =	vadd.f32 v10, v54  }
0x6d: {  	(v2sf) =	vpush v60, $0x0;
	v60 =	vld [tilespmem:s25+$0x80A0];
	vm1 =	vle.f32 v7, $3.999999910e-02;
	v7 =	vadd.f32 v8, v2  }
0x6e: {  	v32 =	vld [tilespmem:s25+$0x80C0];
	v35 =	vmul.f32 v63, v3;
	vm3 =	vle.f32 v9, $3.999999910e-02;
	v9 =	vadd.f32 v41, v2  }
0x6f: {  	v61 =	vld [tilespmem:s25+$0xA0A0];
	v14 =	vmul.f32 v29, v4;
	v43 =	vmpcnt.ones.xlane vm3;
	v7 =	vadd.f32 v7, v59  }
0x70: {  	v9 =	vadd.f32 v9, v26;
	v12 =	vmul.f32 v39, v5;
	v26 =	vmul.f32 v58, v3;
	v8 =	vld [tilespmem:s25+$0x6080]  }
0x71: {  	v47 =	vld [tilespmem:s25+$0xC080];
	v40 =	vmpcnt.ones.xlane vm2;
	vm4 =	vle.f32 v7, $3.999999910e-02;
	v7 =	vmul.f32 v28, v3  }
0x72: {  	v25 =	vld [tilespmem:s25+$0x80B0];
	v27 =	vmul.f32 v60, v4;
	vm5 =	vle.f32 v9, $3.999999910e-02;
	v9 =	vadd.f32 v12, v57  }
0x73: {  	v13 =	vmul.f32 v32, v4;
	v54 =	vld [tilespmem:s25+$0xA090];
	(v2sf) =	vpush v40, $0x0;
	v7 =	vadd.f32 v14, v7  }
0x74: {  	v48 =	vld [tilespmem:s25+$0xA0E0];
	v10 =	vadd.f32 v27, v26;
	v12 =	vmul.f32 v61, v5;
	(v2sf) =	vpush v43, $0x0  }
0x75: {  	v31 =	vld [tilespmem:s25+$0x60C0];
	v59 =	vmul.f32 v45, v4;
	v8 =	vmul.f32 v8, v3;
	v7 =	vadd.f32 v50, v7  }
0x76: {  	v37 =	vld [tilespmem:s25+$0x80D0];
	v44 =	vmpcnt.ones.xlane vm1;
	v9 =	vadd.f32 v9, v2;
	v10 =	vadd.f32 v12, v10  }
0x77: {  	v62 =	vld [tilespmem:s25+$0xC0A0];
	v36 =	vmul.f32 v25, v4;
	v8 =	vadd.f32 v59, v8;
	v7 =	vadd.f32 v7, v2  }
0x78: {  	v41 =	vld [tilespmem:s25+$0x60E0];
	v24 =	vmul.f32 v54, v5;
	(v2sf) =	vpush v44, $0x0;
	v9 =	vadd.f32 v9, v42  }
0x79: {  	v57 =	vmul.f32 v48, v5;
	v28 =	vld [tilespmem:s25+$0xA0B0];
	v8 =	vadd.f32 v11, v8;
	v7 =	vadd.f32 v7, v33  }
0x7a: {  	v56 =	vld [tilespmem:s25+$0xC090];
	v55 =	vmpcnt.ones.xlane vm5;
	v34 =	vadd.f32 v10, v2;
	v10 =	vadd.f32 v36, v35  }
0x7b: {  	v43 =	vld [tilespmem:s25+$0x80E0];
	vm6 =	vle.f32 v7, $3.999999910e-02;
	v7 =	vadd.f32 v8, v2;
	v8 =	vadd.f32 v24, v23  }
0x7c: {  	v29 =	vld [tilespmem:s25+$0xC0B0];
	v49 =	vmpcnt.ones.xlane vm4;
	vm8 =	vle.f32 v9, $3.999999910e-02;
	v9 =	vadd.f32 v34, v62  }
0x7d: {  	v51 =	vmul.f32 v41, v3;
	v45 =	vld [tilespmem:s25+$0x60F0];
	v7 =	vadd.f32 v7, v47;
	v8 =	vadd.f32 v8, v2  }
0x7e: {  	v14 =	vmul.f32 v31, v3;
	(v2sf) =	vpush v49, $0x0;
	v40 =	vmul.f32 v28, v5;
	v33 =	vld [tilespmem:s25+$0xA0C0]  }
0x7f: {  	v38 =	vmpcnt.ones.xlane vm8;
	vm7 =	vle.f32 v7, $3.999999910e-02;
	v7 =	vadd.f32 v8, v56;
	v8 =	vld [tilespmem:s25+$0x60D0]  }
0x80: {  	v52 =	vmul.f32 v43, v4;
	(v2sf) =	vpush v55, $0x0;
	v44 =	vadd.f32 v40, v10;
	v47 =	vld [tilespmem:s25+$0x80F0]  }
0x81: {  	vm10 =	vle.f32 v9, $3.999999910e-02;
	v50 =	vmul.f32 v37, v4;
	vm9 =	vle.f32 v7, $3.999999910e-02;
	v7 =	vld [tilespmem:s25+$0xA0D0]  }
0x82: {  	v13 =	vadd.f32 v13, v14;
	v9 =	vadd.f32 v44, v2;
	v30 =	vmpcnt.ones.xlane vm6  }
0x83: {  	v49 =	vld [tilespmem:s25+$0xA0F0];
	v55 =	vadd.f32 v52, v51;
	v10 =	vmul.f32 v45, v3;
	v12 =	vmul.f32 v33, v5  }
0x84: {  	v9 =	vadd.f32 v9, v29;
	(v2sf) =	vpush v30, $0x0;
	v8 =	vmul.f32 v8, v3  }
0x85: {  	(v2sf) =	vpush v38, $0x0;
	v39 =	vmpcnt.ones.xlane vm7;
	v12 =	vadd.f32 v12, v13  }
0x86: {  	v53 =	vld [tilespmem:s25+$0xC0C0];
	v54 =	vmul.f32 v47, v4;
	v7 =	vmul.f32 v7, v5;
	v8 =	vadd.f32 v50, v8  }
0x87: {  	v56 =	vld [tilespmem:s25+$0xC0D0];
	v13 =	vadd.f32 v57, v55;
	(v2sf) =	vpush v39, $0x0  }
0x88: {  	v58 =	vld [tilespmem:s25+$0xC0E0];
	v15 =	vmul.f32 v49, v5;
	v7 =	vadd.f32 v7, v8;
	v8 =	vadd.f32 v54, v10  }
0x89: {  	v59 =	vld [tilespmem:s25+$0xC0F0];
	v42 =	vmpcnt.ones.xlane vm9;
	v12 =	vadd.f32 v12, v2;
	v60 =	vadd.f32 v13, v2  }
0x8a: {  	v46 =	vmpcnt.ones.xlane vm10;
	v8 =	vadd.f32 v15, v8;
	v7 =	vadd.f32 v7, v2  }
0x8b: {  	vm15 =	vle.f32 v9, $3.999999910e-02;
	(v2sf) =	vpush v42, $0x0;
	v11 =	vadd.f32 v12, v53  }
0x8c: {  	v62 =	vmpcnt.ones.xlane vm15;
	v7 =	vadd.f32 v7, v56;
	v8 =	vadd.f32 v8, v2  }
0x8d: {  	v61 =	vadd.f32 v60, v58;
	(v2sf) =	vpush v46, $0x0;
	vm14 =	vle.f32 v11, $3.999999910e-02  }
0x8e: {  	vm12 =	vle.f32 v7, $3.999999910e-02;
	v7 =	vadd.f32 v8, v59;
	v8 =	vmpcnt.ones.xlane vm14  }
0x8f: {  	(v2sf) =	vpush v62, $0x0;
	vm13 =	vle.f32 v61, $3.999999910e-02;
	v63 =	vmpcnt.ones.xlane vm12  }
0x90: {  	(v2sf) =	vpush v8, $0x0;
	vm11 =	vle.f32 v7, $3.999999910e-02;
	v7 =	vmpcnt.ones.xlane vm13  }
0x91: {  	(v2sf) =	vpush v63, $0x0;
	v8 =	vmpcnt.ones.xlane vm11  }
0x92: {  	(v2sf) =	vpush v7, $0x0  }
0x93: {  	s7 =	spop (v2sf);
	(v2sf) =	vpush v8, $0x0  }
0x94: {  	s26 =	spop (v2sf);
	s25 =	sadd.s32 s24, s7  }
0x95: {  	s28 =	spop (v2sf);
	s26 =	sadd.s32 s25, s26  }
0x96: {  	s5 =	sadd.s32 $0x10, s6;
	s29 =	spop (v2sf);
	s28 =	sadd.s32 s26, s28;
	v7 =	vor.u32 s6, v0  }
0x97: {  	s7 =	spop (v2sf);
	[tilespmem:v6+s24+$0x0 ss:$0x1] =	vst.idx.msk vm0, v7;
	v7 =	vor.u32 s5, v0;
	s5 =	sadd.s32 $0x20, s6;
	s24 =	sadd.s32 s28, s29  }
0x98: {  	s29 =	spop (v2sf);
	[tilespmem:v6+s25+$0x0 ss:$0x1] =	vst.idx.msk vm2, v7;
	v7 =	vor.u32 s5, v0;
	s5 =	sadd.s32 $0x30, s6;
	s7 =	sadd.s32 s24, s7  }
0x99: {  	s25 =	spop (v2sf);
	[tilespmem:v6+s26+$0x0 ss:$0x1] =	vst.idx.msk vm3, v7;
	v7 =	vor.u32 s5, v0;
	s5 =	sadd.s32 $0x40, s6;
	s26 =	sadd.s32 s7, s29  }
0x9a: {  	s29 =	spop (v2sf);
	[tilespmem:v6+s28+$0x0 ss:$0x1] =	vst.idx.msk vm1, v7;
	v7 =	vor.u32 s5, v0;
	s5 =	sadd.s32 $0x50, s6;
	s25 =	sadd.s32 s26, s25  }
0x9b: {  	s28 =	spop (v2sf);
	[tilespmem:v6+s24+$0x0 ss:$0x1] =	vst.idx.msk vm4, v7;
	v7 =	vor.u32 s5, v0;
	s5 =	sadd.s32 $0x60, s6;
	s24 =	sadd.s32 s25, s29  }
0x9c: {  	s29 =	spop (v2sf);
	[tilespmem:v6+s7+$0x0 ss:$0x1] =	vst.idx.msk vm5, v7;
	v7 =	vor.u32 s5, v0;
	s5 =	sadd.s32 $0x70, s6;
	s7 =	sadd.s32 s24, s28  }
0x9d: {  	s28 =	spop (v2sf);
	[tilespmem:v6+s26+$0x0 ss:$0x1] =	vst.idx.msk vm6, v7;
	v7 =	vor.u32 s5, v0;
	s5 =	sadd.s32 $0x80, s6;
	s26 =	sadd.s32 s7, s29  }
0x9e: {  	s29 =	spop (v2sf);
	[tilespmem:v6+s25+$0x0 ss:$0x1] =	vst.idx.msk vm8, v7;
	v7 =	vor.u32 s5, v0;
	s5 =	sadd.s32 $0x90, s6;
	s25 =	sadd.s32 s26, s28  }
0x9f: {  	[tilespmem:v6+s24+$0x0 ss:$0x1] =	vst.idx.msk vm7, v7;
	v7 =	vor.u32 s5, v0;
	s5 =	sadd.s32 $0xA0, s6;
	s24 =	sadd.s32 s25, s29;
	s28 =	spop (v2sf)  }
0xa0: {  	[tilespmem:v6+s7+$0x0 ss:$0x1] =	vst.idx.msk vm9, v7;
	v7 =	vor.u32 s5, v0;
	s5 =	sadd.s32 $0xB0, s6;
	s29 =	spop (v2sf);
	s7 =	sadd.s32 s24, s28  }
0xa1: {  	[tilespmem:v6+s26+$0x0 ss:$0x1] =	vst.idx.msk vm10, v7;
	v7 =	vor.u32 s5, v0;
	s5 =	sadd.s32 $0xC0, s6;
	s28 =	spop (v2sf);
	s26 =	sadd.s32 s7, s29  }
0xa2: {  	[tilespmem:v6+s25+$0x0 ss:$0x1] =	vst.idx.msk vm15, v7;
	v7 =	vor.u32 s5, v0;
	s29 =	spop (v2sf);
	s25 =	sadd.s32 s26, s28  }
0xa3: {  	p0 =	sgt.u32 s23, $0x1E;
	[tilespmem:v6+s24+$0x0 ss:$0x1] =	vst.idx.msk vm14, v7;
	s24 =	sadd.s32 s25, s29  }
0xa4: {  	p1 =	slt.s32 @!p0 s24, $0x20  }
0xa5: {  	p0 =	por p0, !p1  }
.Ltmp1:
0xa6: {  	s5 =	sadd.s32 $0xD0, s6;
	(pc) =	sbr.rel @!p0 .LBB2_5-.Ltmp1, $4  }
0xa7: {  	v7 =	vor.u32 s5, v0;
	s28 =	sadd.s32 $0xE0, s6  }
0xa8: {  	[tilespmem:v6+s7+$0x0 ss:$0x1] =	vst.idx.msk vm12, v7;
	v7 =	vor.u32 s28, v0;
	s29 =	sadd.s32 $0xF0, s6  }
0xa9: {  	[tilespmem:v6+s26+$0x0 ss:$0x1] =	vst.idx.msk vm13, v7;
	v7 =	vor.u32 s29, v0  }
0xaa: {  	s23 =	sadd.s32 $0x1, s23;
	s19 =	sadd.s32 $0x400, s19;
	s6 =	sadd.s32 $0x100, s6;
	[tilespmem:v6+s25+$0x0 ss:$0x1] =	vst.idx.msk vm11, v7  }
0xab: {  	v2 =	vmov s1  }
0xac: {  	v2 =	vshrl.u32 v2, $0x3  }
0xad: {  	v2 =	vshll.u32 v2, $0x3  }
0xae: {  	v2 =	vbroadcast v2, $0x0;
	_ =	sdelay $0x4  }
0xaf: {  	v3 =	vld [tilespmem:s1+$0xE000]  }
0xb0: {  	v2 =	vld.idx.msk [tilespmem:v2+s17+$0x0], $0xffff;
	_ =	sdelay $0x2  }
0xb1: {  	v4 =	vmov s24  }
0xb2: {  	s5 =	sshll.u32 s0, $0x5;
	vm0 =	vgt.s32 v4, v0  }
0xb3: {  	s5 =	sand.u32 $0x3FFFFFE0, s5;
	v3 =	vsel vm0, v3, v2  }
0xb4: {  	[tilespmem:s5+$0x18000] =	vst v3  }
0xb5: {  	s0 =	sadd.s32 $0x1, s0;
	v3 =	vld [tilespmem:s1+$0xE010]  }
0xb6: {  	p0 =	sne.s32 s0, $0x80  }
.Ltmp2:
0xb7: {  	_ = 	snop;
	(pc) =	sbr.rel @p0 .LBB2_4-.Ltmp2, $4  }
0xb8: {  	_ = 	snop  }
0xb9: {  	vm15 =	vgt.s32 v4, v1  }
0xba: {  	v2 =	vsel vm15, v3, v2  }
0xbb: {  	[tilespmem:s5+$0x18010] =	vst v2  }
0xbc: {  	s0 =	simm.s32 $0x18000  }
0xbd: {  	[tilespmem:s20], [sflag:$0x1] =	stream.indirect.gather [hbm4b:s3+s18], $0x20, s0, s18, $0xb8;
	[tilespmem:$0x1D000] =	vst v63  }
0xbe: {  	_ =	swait.ge [sflag:s21], $0x4000  }
0xbf: {  	[sflag:s21] =	ssyncset.done $0x0  }
0xc0: {  	[sflag:s21] =	ssyncadd.s32 $0xFFFFC000  }
0xc1: {  	[hbm4b:s8+s2] =	stream.linear.scatter [tilespmem:s20], [sflag:$0x2], $0x4000, $0x38;
	[tilespmem:$0x1D000] =	vst v63  }
0xc2: {  	_ =	swait.ge [sflag:s16], $0x4000  }
0xc3: {  	[sflag:s16] =	ssyncset.done $0x0  }
0xc4: {  	s7 =	simm.s32 $0x18200;
	[sflag:s16] =	ssyncadd.s32 $0xFFFFC000  }
0xc5: {  	[tilespmem:s20], [sflag:$0x1] =	stream.indirect.gather [hbm4b:s3+s18], $0x20, s7, s18, $0xb8;
	[tilespmem:$0x1D000] =	vst v63  }
0xc6: {  	_ =	swait.ge [sflag:s21], $0x4000  }
0xc7: {  	[sflag:s21] =	ssyncset.done $0x0  }
0xc8: {  	[sflag:s21] =	ssyncadd.s32 $0xFFFFC000  }
0xc9: {  	[hbm4b:s9+s2] =	stream.linear.scatter [tilespmem:s20], [sflag:$0x2], $0x4000, $0x38;
	[tilespmem:$0x1D000] =	vst v63  }
0xca: {  	_ =	swait.ge [sflag:s16], $0x4000  }
0xcb: {  	[sflag:s16] =	ssyncset.done $0x0  }
0xcc: {  	s19 =	simm.s32 $0x18400;
	[sflag:s16] =	ssyncadd.s32 $0xFFFFC000  }
0xcd: {  	[tilespmem:s20], [sflag:$0x1] =	stream.indirect.gather [hbm4b:s3+s18], $0x20, s19, s18, $0xb8;
	[tilespmem:$0x1D000] =	vst v63  }
0xce: {  	_ =	swait.ge [sflag:s21], $0x4000  }
0xcf: {  	[sflag:s21] =	ssyncset.done $0x0  }
0xd0: {  	[sflag:s21] =	ssyncadd.s32 $0xFFFFC000  }
0xd1: {  	[hbm4b:s10+s2] =	stream.linear.scatter [tilespmem:s20], [sflag:$0x2], $0x4000, $0x38;
	[tilespmem:$0x1D000] =	vst v63  }
0xd2: {  	_ =	swait.ge [sflag:s16], $0x4000  }
0xd3: {  	[sflag:s16] =	ssyncset.done $0x0  }
0xd4: {  	s23 =	simm.s32 $0x18600;
	[sflag:s16] =	ssyncadd.s32 $0xFFFFC000  }
0xd5: {  	[tilespmem:s20], [sflag:$0x1] =	stream.indirect.gather [hbm4b:s3+s18], $0x20, s23, s18, $0xb8;
	[tilespmem:$0x1D000] =	vst v63  }
0xd6: {  	_ =	swait.ge [sflag:s21], $0x4000  }
0xd7: {  	[sflag:s21] =	ssyncset.done $0x0  }
0xd8: {  	[sflag:s21] =	ssyncadd.s32 $0xFFFFC000  }
0xd9: {  	[hbm4b:s11+s2] =	stream.linear.scatter [tilespmem:s20], [sflag:$0x2], $0x4000, $0x38;
	[tilespmem:$0x1D000] =	vst v63  }
0xda: {  	_ =	swait.ge [sflag:s16], $0x4000  }
0xdb: {  	[sflag:s16] =	ssyncset.done $0x0  }
0xdc: {  	s24 =	simm.s32 $0x18800;
	[sflag:s16] =	ssyncadd.s32 $0xFFFFC000  }
0xdd: {  	[tilespmem:s20], [sflag:$0x1] =	stream.indirect.gather [hbm4b:s3+s18], $0x20, s24, s18, $0xb8;
	[tilespmem:$0x1D000] =	vst v63  }
0xde: {  	_ =	swait.ge [sflag:s21], $0x4000  }
0xdf: {  	[sflag:s21] =	ssyncset.done $0x0  }
0xe0: {  	[sflag:s21] =	ssyncadd.s32 $0xFFFFC000  }
0xe1: {  	[hbm4b:s12+s2] =	stream.linear.scatter [tilespmem:s20], [sflag:$0x2], $0x4000, $0x38;
	[tilespmem:$0x1D000] =	vst v63  }
0xe2: {  	_ =	swait.ge [sflag:s16], $0x4000  }
0xe3: {  	[sflag:s16] =	ssyncset.done $0x0  }
0xe4: {  	s25 =	simm.s32 $0x18A00;
	[sflag:s16] =	ssyncadd.s32 $0xFFFFC000  }
0xe5: {  	[tilespmem:s20], [sflag:$0x1] =	stream.indirect.gather [hbm4b:s3+s18], $0x20, s25, s18, $0xb8;
	[tilespmem:$0x1D000] =	vst v63  }
0xe6: {  	_ =	swait.ge [sflag:s21], $0x4000  }
0xe7: {  	[sflag:s21] =	ssyncset.done $0x0  }
0xe8: {  	[sflag:s21] =	ssyncadd.s32 $0xFFFFC000  }
0xe9: {  	[hbm4b:s13+s2] =	stream.linear.scatter [tilespmem:s20], [sflag:$0x2], $0x4000, $0x38;
	[tilespmem:$0x1D000] =	vst v63  }
0xea: {  	_ =	swait.ge [sflag:s16], $0x4000  }
0xeb: {  	[sflag:s16] =	ssyncset.done $0x0  }
0xec: {  	s26 =	simm.s32 $0x18C00;
	[sflag:s16] =	ssyncadd.s32 $0xFFFFC000  }
0xed: {  	[tilespmem:s20], [sflag:$0x1] =	stream.indirect.gather [hbm4b:s3+s18], $0x20, s26, s18, $0xb8;
	[tilespmem:$0x1D000] =	vst v63  }
0xee: {  	_ =	swait.ge [sflag:s21], $0x4000  }
0xef: {  	[sflag:s21] =	ssyncset.done $0x0  }
0xf0: {  	[sflag:s21] =	ssyncadd.s32 $0xFFFFC000  }
0xf1: {  	[hbm4b:s14+s2] =	stream.linear.scatter [tilespmem:s20], [sflag:$0x2], $0x4000, $0x38;
	[tilespmem:$0x1D000] =	vst v63  }
0xf2: {  	_ =	swait.ge [sflag:s16], $0x4000  }
0xf3: {  	[sflag:s16] =	ssyncset.done $0x0  }
0xf4: {  	s28 =	simm.s32 $0x18E00;
	[sflag:s16] =	ssyncadd.s32 $0xFFFFC000  }
0xf5: {  	[tilespmem:s20], [sflag:$0x1] =	stream.indirect.gather [hbm4b:s3+s18], $0x20, s28, s18, $0xb8;
	[tilespmem:$0x1D000] =	vst v63  }
0xf6: {  	_ =	swait.ge [sflag:s21], $0x4000  }
0xf7: {  	[sflag:s21] =	ssyncset.done $0x0  }
0xf8: {  	[sflag:s21] =	ssyncadd.s32 $0xFFFFC000  }
0xf9: {  	[hbm4b:s15+s2] =	stream.linear.scatter [tilespmem:s20], [sflag:$0x2], $0x4000, $0x38;
	[tilespmem:$0x1D000] =	vst v63  }
0xfa: {  	_ =	swait.ge [sflag:s16], $0x4000  }
0xfb: {  	s30 =	sadd.s32 $0x1, s30;
	s29 =	rddreg [dreg:$0x4]  }
0xfc: {  	p0 =	sne.s32 s30, s29  }
.Ltmp3:
0xfd: {  	_ = 	snop;
	(pc) =	sbr.rel @p0 .LBB2_1-.Ltmp3, $3  }
0xfe: {  	_ =	sdelay $0x1  }
0xff: {  	[sflag:s16] =	ssyncset.done $0x0  }
0x100: {  	[sflag:s16] =	ssyncadd.s32 $0xFFFFC000  }
0x101: {  	_ =	sfence.sel $0x180000  }
0x102: {  	[bflag:$0x0] =	sbarrier.arrive $0xFFFF  }
0x103: {  	_ =	strace $0x90000047  }
0x104: {  	s0 =	stileid.u32;
	[bflag:$0x2] =	sbarrier.arrive $0xFFFF  }
0x105: {  	p0 =	sne.s32 s0, $0x0;
	s0 =	rddreg [dreg:$0x2]  }
0x106: {  	s0 =	sadd.s32 @!p0 $0x100000, s0  }
0x107: {  	[sflag:s0] =	ssyncadd.tile.s32 @!p0 $0x1;
	_ =	shalt  }
.Lfunc_end2:
_tile_overlayer_lowered:
.L_overlay_start_2:
0x108: {  	(tag) =	ssettag $0x2  }
0x109: {  	s0 =	rddreg [dreg:$0x0];
	s2 =	stileid.u32  }
0x10a: {  	s1 =	rddreg [dreg:$0x1];
	p0 =	sne.s32 s2, $0x0  }
0x10b: {  	s3 =	rddreg [dreg:$0x2];
	[bflag:$0x3] =	sbarrier.arrive $0xFFFF;
	s2 =	simm.s32 @!p0 $0x1C02  }
0x10c: {  	[timem:s3], [sflag:s2] =	dma.local @!p0 [hbm:s0], s1  }
0x10d: {  	s0 =	simm.s32 @!p0 $0x2  }
0x10e: {  	_ =	swait.ge @!p0 [sflag:s0], s1  }
0x10f: {  	s1 =	ssub.s32 @!p0 $0x0, s1;
	[sflag:s0] =	ssyncset.done @!p0 $0x0  }
0x110: {  	[sflag:s0] =	ssyncadd.s32 @!p0 s1  }
0x111: {  	[bflag:$0x3] =	sbarrier.arrive $0xFFFF  }
0x112: {  	_ =	shalt  }

</sc_bundles>
